<compile_context>
chip_gen: v7x
topology: tpu7x:2x2x1
jax: 0.10.2.dev20260603
libtpu: 0.0.44.dev20260713+nightly
codegen_flags: <defaults>
</compile_context>

<pallas_src>
import functools

import jax
import jax.numpy as jnp
from jax import lax
from jax.experimental import pallas as pl
from jax.experimental.pallas import tpu as pltpu
from jax.experimental.pallas import tpu_sc as plsc

SEQ = 200
DIM = 64
NC = 2
NS = 16
NW = NC * NS

C = 64
NG = DIM // 16
NB = 4
K = 2

PAD_ROWS = 4000


def _pad_body(t_ref, o_ref):
    o_ref[:, :DIM] = t_ref[...]
    o_ref[:, DIM:] = t_ref[...]


def _widen_table(token_table):
    vocab = token_table.shape[0]
    return pl.pallas_call(
        _pad_body,
        grid=(vocab // PAD_ROWS,),
        in_specs=[pl.BlockSpec((PAD_ROWS, DIM), lambda i: (i, 0))],
        out_specs=pl.BlockSpec((PAD_ROWS, 2 * DIM), lambda i: (i, 0)),
        out_shape=jax.ShapeDtypeStruct((vocab, 2 * DIM), jnp.float32),
    )(token_table)


def _emb_body(idx_hbm, tokp_hbm, pos_hbm, out_hbm, idx_v, sup_v, out_v,
              pos_v, gsem, osem):
    total = idx_hbm.shape[0]
    per_w = total // NW
    nchunks = per_w // C

    wid = lax.axis_index("s") * NC + lax.axis_index("c")
    base_w = wid * per_w

    pltpu.sync_copy(pos_hbm, pos_v)
    pltpu.sync_copy(idx_hbm.at[pl.ds(base_w, per_w)], idx_v)

    def start_gather(g, b):
        pltpu.async_copy(
            tokp_hbm.at[idx_v.at[pl.ds(g * C, C)]], sup_v.at[b], gsem.at[b]
        )

    def wait_gather(g, b):
        pltpu.make_async_copy(
            tokp_hbm.at[idx_v.at[pl.ds(g * C, C)]], sup_v.at[b], gsem.at[b]
        ).wait()

    def start_out(g, b):
        base = base_w + g * C
        pltpu.async_copy(
            out_v.at[b], out_hbm.at[pl.ds(base, C), :], osem.at[b]
        )

    def wait_out(b):
        pltpu.make_async_copy(
            out_v.at[b], out_hbm.at[pl.ds(0, C), :], osem.at[b]
        ).wait()

    for b in range(K):
        start_gather(b, b)

    def outer(h, carry):
        for b in range(NB):
            g = h * NB + b
            wait_gather(g, b)
            s0 = lax.rem(g * C, SEQ)

            def add_body(j, c2):
                s = s0 + j
                s = jnp.where(s >= SEQ, s - SEQ, s)
                for d in range(NG):
                    out_v[b, j, pl.ds(d * 16, 16)] = (
                        sup_v[b, j, pl.ds(d * 16, 16)]
                        + pos_v[s, pl.ds(d * 16, 16)]
                    )
                return c2

            lax.fori_loop(0, C, add_body, 0)
            start_out(g, b)

            b2 = (b + K) % NB

            @pl.when(g + K >= NB)
            def _():
                wait_out(b2)

            @pl.when(g + K < nchunks)
            def _():
                start_gather(g + K, b2)
        return carry

    lax.fori_loop(0, nchunks // NB, outer, 0)

    for g in range(nchunks - K, nchunks):
        wait_out(g % NB)


@functools.partial(jax.jit, static_argnames=())
def _emb(idx_flat, tokp, pos):
    total = idx_flat.shape[0]
    per_w = total // NW
    run = pl.kernel(
        _emb_body,
        out_type=jax.ShapeDtypeStruct((total, DIM), jnp.float32),
        mesh=plsc.VectorSubcoreMesh(core_axis_name="c", subcore_axis_name="s"),
        scratch_types=[
            pltpu.VMEM((per_w,), jnp.int32),
            pltpu.VMEM((NB, C, 2 * DIM), jnp.float32),
            pltpu.VMEM((NB, C, DIM), jnp.float32),
            pltpu.VMEM((SEQ, DIM), jnp.float32),
            pltpu.SemaphoreType.DMA((NB,)),
            pltpu.SemaphoreType.DMA((NB,)),
        ],
        compiler_params=pltpu.CompilerParams(use_tc_tiling_on_sc=True),
    )
    return run(idx_flat, tokp, pos)


def kernel(inputs, token_table, pos_table):
    batch, seq = inputs.shape
    flat = inputs.reshape(-1).astype(jnp.int32)
    tokp = _widen_table(token_table)
    out = _emb(flat, tokp, pos_table)
    return out.reshape(batch, seq, DIM)

# --- scband reference (transcript-rebuilt; emitter-appended) ---
"""Pipeline reference for scband-positional-embedding-747324310323 (READ-ONLY COPY).

The authoritative reference and input builder live on the scoring server;
editing this copy changes nothing except your own understanding.
"""

import jax, jax.numpy as jnp
import numpy as np

SEQ_LEN = 200
VOCAB = 100000
DIM = 64
BATCH = 4096

def setup_inputs(seed: int = 0) -> dict:
    key = jax.random.key(seed)
    k1, k2, k3 = jax.random.split(key, 3)
    inputs = jax.random.randint(k1, (BATCH, SEQ_LEN), 0, VOCAB, dtype=jnp.int64 if jax.config.jax_enable_x64 else jnp.int32)
    token_table = jax.random.normal(k2, (VOCAB, DIM), dtype=jnp.float32) * 0.02
    pos_table = jax.random.normal(k3, (SEQ_LEN, DIM), dtype=jnp.float32) * 0.02
    return {"inputs": inputs, "token_table": token_table, "pos_table": pos_table}

def reference(inputs, token_table, pos_table):
    length = inputs.shape[-1]
    positions = jnp.arange(0, length)
    embedded_tokens = jnp.take(token_table, inputs, axis=0)
    embedded_positions = jnp.take(pos_table, positions, axis=0)
    return embedded_tokens + embedded_positions

if __name__ == "__main__":
    import jax
    _d = setup_inputs()
    print(jax.jit(kernel)(*tuple(_d.values())))

</pallas_src>

<mosaic_0001>
#map = affine_map<(d0, d1) -> (0)>
#map1 = affine_map<(d0, d1) -> (0, 0)>
module attributes {stable_mosaic.version = 14 : i64} {
  func.func @_emb_body(%arg0: i32, %arg1: i32, %arg2: memref<819200xi32, #tpu.memory_space<hbm>>, %arg3: memref<100000x128xf32, #tpu.memory_space<hbm>>, %arg4: memref<200x64xf32, #tpu.memory_space<hbm>>, %arg5: memref<819200x64xf32, #tpu.memory_space<hbm>>, %arg6: memref<25600xi32, #tpu.memory_space<vmem>>, %arg7: memref<4x64x128xf32, #tpu.memory_space<vmem>>, %arg8: memref<4x64x64xf32, #tpu.memory_space<vmem>>, %arg9: memref<200x64xf32, #tpu.memory_space<vmem>>, %arg10: memref<4x!tpu.dma_semaphore, #tpu.memory_space<semaphore_mem>>, %arg11: memref<4x!tpu.dma_semaphore, #tpu.memory_space<semaphore_mem>>) attributes {dimension_semantics = [#tpu.dimension_semantics<core_parallel>, #tpu.dimension_semantics<subcore_parallel>], iteration_bounds = array<i64: 2, 16>, scalar_prefetch = 0 : i64, scratch_operands = 6 : i64, tpu.core_type = #tpu.core_type<sc_vector_subcore>, window_params = [{transform_indices = #map}, {transform_indices = #map1}, {transform_indices = #map1}, {transform_indices = #map1}]} {
    %mul3A = arith.constant 2 : i32
    %mul3A_0 = arith.muli %arg1, %mul3A : i32
    %add3A = arith.addi %mul3A_0, %arg0 : i32
    %mul3A_1 = arith.constant 25600 : i32
    %mul3A_2 = arith.muli %add3A, %mul3A_1 : i32
    "tpu.region"() ({
      %run_scoped3A = tpu.sem_alloc : memref<!tpu.dma_semaphore, #tpu.memory_space<semaphore_mem>>
      tpu.enqueue_dma source(%arg4 : memref<200x64xf32, #tpu.memory_space<hbm>>) target(%arg9 : memref<200x64xf32, #tpu.memory_space<vmem>>) target_semaphore(%run_scoped3A : memref<!tpu.dma_semaphore, #tpu.memory_space<semaphore_mem>>)
      tpu.wait_dma2 semaphore(%run_scoped3A : memref<!tpu.dma_semaphore, #tpu.memory_space<semaphore_mem>>) src(%arg4 : memref<200x64xf32, #tpu.memory_space<hbm>>) dst(%arg9 : memref<200x64xf32, #tpu.memory_space<vmem>>)
      tpu.yield
    }) : () -> ()
    "tpu.region"() ({
      %run_scoped3A = tpu.sem_alloc : memref<!tpu.dma_semaphore, #tpu.memory_space<semaphore_mem>>
      %dma_start3A_68 = tpu.memref_slice %arg2[%mul3A_2] : memref<819200xi32, #tpu.memory_space<hbm>> -> memref<25600xi32, #tpu.memory_space<hbm>>
      %dma_start3A_69 = tpu.memref_slice %arg2[%mul3A_2] : memref<819200xi32, #tpu.memory_space<hbm>> -> memref<25600xi32, #tpu.memory_space<hbm>>
      tpu.enqueue_dma source(%dma_start3A_69 : memref<25600xi32, #tpu.memory_space<hbm>>) target(%arg6 : memref<25600xi32, #tpu.memory_space<vmem>>) target_semaphore(%run_scoped3A : memref<!tpu.dma_semaphore, #tpu.memory_space<semaphore_mem>>)
      %dma_wait3A_70 = tpu.memref_slice %arg2[%mul3A_2] : memref<819200xi32, #tpu.memory_space<hbm>> -> memref<25600xi32, #tpu.memory_space<hbm>>
      %dma_wait3A_71 = tpu.memref_slice %arg2[%mul3A_2] : memref<819200xi32, #tpu.memory_space<hbm>> -> memref<25600xi32, #tpu.memory_space<hbm>>
      tpu.wait_dma2 semaphore(%run_scoped3A : memref<!tpu.dma_semaphore, #tpu.memory_space<semaphore_mem>>) src(%dma_wait3A_71 : memref<25600xi32, #tpu.memory_space<hbm>>) dst(%arg6 : memref<25600xi32, #tpu.memory_space<vmem>>)
      tpu.yield
    }) : () -> ()
    %dma_start3A = arith.constant 0 : i32
    %dma_start3A_3 = arith.constant 0 : i32
    %dma_start3A_4 = arith.constant 0 : i32
    %dma_start3A_5 = arith.constant 0 : i32
    %dma_start3A_6 = tpu.memref_slice %arg7[%dma_start3A, %dma_start3A_4, %dma_start3A_5] : memref<4x64x128xf32, #tpu.memory_space<vmem>> -> memref<1x64x128xf32, #tpu.memory_space<vmem>>
    %dma_start3A_7 = tpu.memref_squeeze %dma_start3A_6 : memref<1x64x128xf32, #tpu.memory_space<vmem>> -> memref<64x128xf32, #tpu.memory_space<vmem>>
    %dma_start3A_8 = arith.constant 0 : i32
    %dma_start3A_9 = tpu.memref_slice %arg6[%dma_start3A_8] : memref<25600xi32, #tpu.memory_space<vmem>> -> memref<64xi32, #tpu.memory_space<vmem>>
    %dma_start3A_10 = arith.constant 0 : i32
    %dma_start3A_11 = arith.constant 0 : i32
    %dma_start3A_12 = tpu.memref_slice %arg3[%dma_start3A_10, %dma_start3A_11] : memref<100000x128xf32, #tpu.memory_space<hbm>> -> memref<100000x128xf32, #tpu.memory_space<hbm>>
    %dma_start3A_13 = tpu.memref_slice %arg10[%dma_start3A_3] : memref<4x!tpu.dma_semaphore, #tpu.memory_space<semaphore_mem>> -> memref<1x!tpu.dma_semaphore, #tpu.memory_space<semaphore_mem>>
    %dma_start3A_14 = tpu.memref_squeeze %dma_start3A_13 : memref<1x!tpu.dma_semaphore, #tpu.memory_space<semaphore_mem>> -> memref<!tpu.dma_semaphore, #tpu.memory_space<semaphore_mem>>
    tpu.enqueue_indirect_dma source(%dma_start3A_12 : memref<100000x128xf32, #tpu.memory_space<hbm>>) target(%dma_start3A_7 : memref<64x128xf32, #tpu.memory_space<vmem>>) offsets(%dma_start3A_9 : memref<64xi32, #tpu.memory_space<vmem>>) semaphore(%dma_start3A_14 : memref<!tpu.dma_semaphore, #tpu.memory_space<semaphore_mem>>)
    %dma_start3A_15 = arith.constant 1 : i32
    %dma_start3A_16 = arith.constant 1 : i32
    %dma_start3A_17 = arith.constant 0 : i32
    %dma_start3A_18 = arith.constant 0 : i32
    %dma_start3A_19 = tpu.memref_slice %arg7[%dma_start3A_15, %dma_start3A_17, %dma_start3A_18] : memref<4x64x128xf32, #tpu.memory_space<vmem>> -> memref<1x64x128xf32, #tpu.memory_space<vmem>>
    %dma_start3A_20 = tpu.memref_squeeze %dma_start3A_19 : memref<1x64x128xf32, #tpu.memory_space<vmem>> -> memref<64x128xf32, #tpu.memory_space<vmem>>
    %dma_start3A_21 = arith.constant 64 : i32
    %dma_start3A_22 = tpu.memref_slice %arg6[%dma_start3A_21] : memref<25600xi32, #tpu.memory_space<vmem>> -> memref<64xi32, #tpu.memory_space<vmem>>
    %dma_start3A_23 = arith.constant 0 : i32
    %dma_start3A_24 = arith.constant 0 : i32
    %dma_start3A_25 = tpu.memref_slice %arg3[%dma_start3A_23, %dma_start3A_24] : memref<100000x128xf32, #tpu.memory_space<hbm>> -> memref<100000x128xf32, #tpu.memory_space<hbm>>
    %dma_start3A_26 = tpu.memref_slice %arg10[%dma_start3A_16] : memref<4x!tpu.dma_semaphore, #tpu.memory_space<semaphore_mem>> -> memref<1x!tpu.dma_semaphore, #tpu.memory_space<semaphore_mem>>
    %dma_start3A_27 = tpu.memref_squeeze %dma_start3A_26 : memref<1x!tpu.dma_semaphore, #tpu.memory_space<semaphore_mem>> -> memref<!tpu.dma_semaphore, #tpu.memory_space<semaphore_mem>>
    tpu.enqueue_indirect_dma source(%dma_start3A_25 : memref<100000x128xf32, #tpu.memory_space<hbm>>) target(%dma_start3A_20 : memref<64x128xf32, #tpu.memory_space<vmem>>) offsets(%dma_start3A_22 : memref<64xi32, #tpu.memory_space<vmem>>) semaphore(%dma_start3A_27 : memref<!tpu.dma_semaphore, #tpu.memory_space<semaphore_mem>>)
    %scan3A = arith.constant 0 : i32
    %scan3A_28 = arith.constant 0 : i32
    %scan3A_29 = arith.constant 100 : i32
    %scan3A_30 = arith.addi %scan3A_28, %scan3A_29 : i32
    %scan3A_31 = arith.constant 1 : i32
    scf.for %scan3A_68 = %scan3A_28 to %scan3A_30 step %scan3A_31  : i32 {
      %mul3A_69 = arith.constant 4 : i32
      %mul3A_70 = arith.muli %scan3A_68, %mul3A_69 : i32
      %add3A_71 = arith.constant 0 : i32
      %add3A_72 = arith.addi %mul3A_70, %add3A_71 : i32
      %mul3A_73 = arith.constant 64 : i32
      %mul3A_74 = arith.muli %add3A_72, %mul3A_73 : i32
      %dma_wait3A_75 = arith.constant 0 : i32
      %dma_wait3A_76 = arith.constant 0 : i32
      %dma_wait3A_77 = arith.constant 0 : i32
      %dma_wait3A_78 = arith.constant 0 : i32
      %dma_wait3A_79 = tpu.memref_slice %arg7[%dma_wait3A_75, %dma_wait3A_77, %dma_wait3A_78] : memref<4x64x128xf32, #tpu.memory_space<vmem>> -> memref<1x64x128xf32, #tpu.memory_space<vmem>>
      %dma_wait3A_80 = tpu.memref_squeeze %dma_wait3A_79 : memref<1x64x128xf32, #tpu.memory_space<vmem>> -> memref<64x128xf32, #tpu.memory_space<vmem>>
      %dma_wait3A_81 = tpu.memref_slice %arg6[%mul3A_74] : memref<25600xi32, #tpu.memory_space<vmem>> -> memref<64xi32, #tpu.memory_space<vmem>>
      %dma_wait3A_82 = arith.constant 0 : i32
      %dma_wait3A_83 = arith.constant 0 : i32
      %dma_wait3A_84 = tpu.memref_slice %arg3[%dma_wait3A_82, %dma_wait3A_83] : memref<100000x128xf32, #tpu.memory_space<hbm>> -> memref<100000x128xf32, #tpu.memory_space<hbm>>
      %dma_wait3A_85 = tpu.memref_slice %arg10[%dma_wait3A_76] : memref<4x!tpu.dma_semaphore, #tpu.memory_space<semaphore_mem>> -> memref<1x!tpu.dma_semaphore, #tpu.memory_space<semaphore_mem>>
      %dma_wait3A_86 = tpu.memref_squeeze %dma_wait3A_85 : memref<1x!tpu.dma_semaphore, #tpu.memory_space<semaphore_mem>> -> memref<!tpu.dma_semaphore, #tpu.memory_space<semaphore_mem>>
      tpu.wait_indirect_dma semaphore(%dma_wait3A_86 : memref<!tpu.dma_semaphore, #tpu.memory_space<semaphore_mem>>) src(%dma_wait3A_84 : memref<100000x128xf32, #tpu.memory_space<hbm>>) dst(%dma_wait3A_80 : memref<64x128xf32, #tpu.memory_space<vmem>>)
      %mul3A_87 = arith.constant 64 : i32
      %mul3A_88 = arith.muli %add3A_72, %mul3A_87 : i32
      %rem3A = arith.constant 200 : i32
      %rem3A_89 = arith.remsi %mul3A_88, %rem3A : i32
      %scan3A_90 = arith.constant 0 : i32
      %scan3A_91 = arith.constant 0 : i32
      %scan3A_92 = arith.constant 64 : i32
      %scan3A_93 = arith.addi %scan3A_91, %scan3A_92 : i32
      %scan3A_94 = arith.constant 1 : i32
      scf.for %scan3A_308 = %scan3A_91 to %scan3A_93 step %scan3A_94  : i32 {
        %add3A_309 = arith.addi %rem3A_89, %scan3A_308 : i32
        %ge3A_310 = arith.constant 200 : i32
        %ge3A_311 = arith.cmpi sge, %add3A_309, %ge3A_310 : i32
        %sub3A = arith.constant 200 : i32
        %sub3A_312 = arith.subi %add3A_309, %sub3A : i32
        %select_n3A = arith.select %ge3A_311, %sub3A_312, %add3A_309 : i32
        %get3A = arith.constant 0 : i32
        %get3A_313 = arith.index_cast %get3A : i32 to index
        %get3A_314 = arith.index_cast %scan3A_308 : i32 to index
        %get3A_315 = arith.constant 0 : index
        %get3A_316 = tpu.vector_load %arg7[%get3A_313, %get3A_314, %get3A_315] {strides = array<i32>} : memref<4x64x128xf32, #tpu.memory_space<vmem>>, vector<1x1x16xf32>,
        %get3A_317 = vector.shape_cast %get3A_316 : vector<1x1x16xf32> to vector<16xf32>
        %get3A_318 = arith.index_cast %select_n3A : i32 to index
        %get3A_319 = arith.constant 0 : index
        %get3A_320 = tpu.vector_load %arg9[%get3A_318, %get3A_319] {strides = array<i32>} : memref<200x64xf32, #tpu.memory_space<vmem>>, vector<1x16xf32>,
        %get3A_321 = vector.shape_cast %get3A_320 : vector<1x16xf32> to vector<16xf32>
        %add3A_322 = arith.addf %get3A_317, %get3A_321 : vector<16xf32>
        %swap3A = arith.constant 0 : i32
        %swap3A_323 = arith.index_cast %swap3A : i32 to index
        %swap3A_324 = arith.index_cast %scan3A_308 : i32 to index
        %swap3A_325 = arith.constant 0 : index
        %swap3A_326 = tpu.vector_load %arg8[%swap3A_323, %swap3A_324, %swap3A_325] {strides = array<i32>} : memref<4x64x64xf32, #tpu.memory_space<vmem>>, vector<1x1x16xf32>,
        %swap3A_327 = vector.shape_cast %swap3A_326 : vector<1x1x16xf32> to vector<16xf32>
        %swap3A_328 = vector.shape_cast %add3A_322 : vector<16xf32> to vector<1x1x16xf32>
        tpu.vector_store %arg8[%swap3A_323, %swap3A_324, %swap3A_325], %swap3A_328 {strides = array<i32>} : memref<4x64x64xf32, #tpu.memory_space<vmem>>, vector<1x1x16xf32>,
        %get3A_329 = arith.constant 0 : i32
        %get3A_330 = arith.index_cast %get3A_329 : i32 to index
        %get3A_331 = arith.index_cast %scan3A_308 : i32 to index
        %get3A_332 = arith.constant 16 : index
        %get3A_333 = tpu.vector_load %arg7[%get3A_330, %get3A_331, %get3A_332] {strides = array<i32>} : memref<4x64x128xf32, #tpu.memory_space<vmem>>, vector<1x1x16xf32>,
        %get3A_334 = vector.shape_cast %get3A_333 : vector<1x1x16xf32> to vector<16xf32>
        %get3A_335 = arith.index_cast %select_n3A : i32 to index
        %get3A_336 = arith.constant 16 : index
        %get3A_337 = tpu.vector_load %arg9[%get3A_335, %get3A_336] {strides = array<i32>} : memref<200x64xf32, #tpu.memory_space<vmem>>, vector<1x16xf32>,
        %get3A_338 = vector.shape_cast %get3A_337 : vector<1x16xf32> to vector<16xf32>
        %add3A_339 = arith.addf %get3A_334, %get3A_338 : vector<16xf32>
        %swap3A_340 = arith.constant 0 : i32
        %swap3A_341 = arith.index_cast %swap3A_340 : i32 to index
        %swap3A_342 = arith.index_cast %scan3A_308 : i32 to index
        %swap3A_343 = arith.constant 16 : index
        %swap3A_344 = tpu.vector_load %arg8[%swap3A_341, %swap3A_342, %swap3A_343] {strides = array<i32>} : memref<4x64x64xf32, #tpu.memory_space<vmem>>, vector<1x1x16xf32>,
        %swap3A_345 = vector.shape_cast %swap3A_344 : vector<1x1x16xf32> to vector<16xf32>
        %swap3A_346 = vector.shape_cast %add3A_339 : vector<16xf32> to vector<1x1x16xf32>
        tpu.vector_store %arg8[%swap3A_341, %swap3A_342, %swap3A_343], %swap3A_346 {strides = array<i32>} : memref<4x64x64xf32, #tpu.memory_space<vmem>>, vector<1x1x16xf32>,
        %get3A_347 = arith.constant 0 : i32
        %get3A_348 = arith.index_cast %get3A_347 : i32 to index
        %get3A_349 = arith.index_cast %scan3A_308 : i32 to index
        %get3A_350 = arith.constant 32 : index
        %get3A_351 = tpu.vector_load %arg7[%get3A_348, %get3A_349, %get3A_350] {strides = array<i32>} : memref<4x64x128xf32, #tpu.memory_space<vmem>>, vector<1x1x16xf32>,
        %get3A_352 = vector.shape_cast %get3A_351 : vector<1x1x16xf32> to vector<16xf32>
        %get3A_353 = arith.index_cast %select_n3A : i32 to index
        %get3A_354 = arith.constant 32 : index
        %get3A_355 = tpu.vector_load %arg9[%get3A_353, %get3A_354] {strides = array<i32>} : memref<200x64xf32, #tpu.memory_space<vmem>>, vector<1x16xf32>,
        %get3A_356 = vector.shape_cast %get3A_355 : vector<1x16xf32> to vector<16xf32>
        %add3A_357 = arith.addf %get3A_352, %get3A_356 : vector<16xf32>
        %swap3A_358 = arith.constant 0 : i32
        %swap3A_359 = arith.index_cast %swap3A_358 : i32 to index
        %swap3A_360 = arith.index_cast %scan3A_308 : i32 to index
        %swap3A_361 = arith.constant 32 : index
        %swap3A_362 = tpu.vector_load %arg8[%swap3A_359, %swap3A_360, %swap3A_361] {strides = array<i32>} : memref<4x64x64xf32, #tpu.memory_space<vmem>>, vector<1x1x16xf32>,
        %swap3A_363 = vector.shape_cast %swap3A_362 : vector<1x1x16xf32> to vector<16xf32>
        %swap3A_364 = vector.shape_cast %add3A_357 : vector<16xf32> to vector<1x1x16xf32>
        tpu.vector_store %arg8[%swap3A_359, %swap3A_360, %swap3A_361], %swap3A_364 {strides = array<i32>} : memref<4x64x64xf32, #tpu.memory_space<vmem>>, vector<1x1x16xf32>,
        %get3A_365 = arith.constant 0 : i32
        %get3A_366 = arith.index_cast %get3A_365 : i32 to index
        %get3A_367 = arith.index_cast %scan3A_308 : i32 to index
        %get3A_368 = arith.constant 48 : index
        %get3A_369 = tpu.vector_load %arg7[%get3A_366, %get3A_367, %get3A_368] {strides = array<i32>} : memref<4x64x128xf32, #tpu.memory_space<vmem>>, vector<1x1x16xf32>,
        %get3A_370 = vector.shape_cast %get3A_369 : vector<1x1x16xf32> to vector<16xf32>
        %get3A_371 = arith.index_cast %select_n3A : i32 to index
        %get3A_372 = arith.constant 48 : index
        %get3A_373 = tpu.vector_load %arg9[%get3A_371, %get3A_372] {strides = array<i32>} : memref<200x64xf32, #tpu.memory_space<vmem>>, vector<1x16xf32>,
        %get3A_374 = vector.shape_cast %get3A_373 : vector<1x16xf32> to vector<16xf32>
        %add3A_375 = arith.addf %get3A_370, %get3A_374 : vector<16xf32>
        %swap3A_376 = arith.constant 0 : i32
        %swap3A_377 = arith.index_cast %swap3A_376 : i32 to index
        %swap3A_378 = arith.index_cast %scan3A_308 : i32 to index
        %swap3A_379 = arith.constant 48 : index
        %swap3A_380 = tpu.vector_load %arg8[%swap3A_377, %swap3A_378, %swap3A_379] {strides = array<i32>} : memref<4x64x64xf32, #tpu.memory_space<vmem>>, vector<1x1x16xf32>,
        %swap3A_381 = vector.shape_cast %swap3A_380 : vector<1x1x16xf32> to vector<16xf32>
        %swap3A_382 = vector.shape_cast %add3A_375 : vector<16xf32> to vector<1x1x16xf32>
        tpu.vector_store %arg8[%swap3A_377, %swap3A_378, %swap3A_379], %swap3A_382 {strides = array<i32>} : memref<4x64x64xf32, #tpu.memory_space<vmem>>, vector<1x1x16xf32>,
      }
      %scan3A_95 = arith.constant 64 : i32
      %mul3A_96 = arith.constant 64 : i32
      %mul3A_97 = arith.muli %add3A_72, %mul3A_96 : i32
      %add3A_98 = arith.addi %mul3A_2, %mul3A_97 : i32
      %dma_start3A_99 = arith.constant 0 : i32
      %dma_start3A_100 = arith.constant 0 : i32
      %dma_start3A_101 = arith.constant 0 : i32
      %dma_start3A_102 = arith.constant 0 : i32
      %dma_start3A_103 = tpu.memref_slice %arg8[%dma_start3A_99, %dma_start3A_101, %dma_start3A_102] : memref<4x64x64xf32, #tpu.memory_space<vmem>> -> memref<1x64x64xf32, #tpu.memory_space<vmem>>
      %dma_start3A_104 = tpu.memref_squeeze %dma_start3A_103 : memref<1x64x64xf32, #tpu.memory_space<vmem>> -> memref<64x64xf32, #tpu.memory_space<vmem>>
      %dma_start3A_105 = arith.constant 0 : i32
      %dma_start3A_106 = tpu.memref_slice %arg5[%add3A_98, %dma_start3A_105] : memref<819200x64xf32, #tpu.memory_space<hbm>> -> memref<64x64xf32, #tpu.memory_space<hbm>>
      %dma_start3A_107 = tpu.memref_slice %arg11[%dma_start3A_100] : memref<4x!tpu.dma_semaphore, #tpu.memory_space<semaphore_mem>> -> memref<1x!tpu.dma_semaphore, #tpu.memory_space<semaphore_mem>>
      %dma_start3A_108 = tpu.memref_squeeze %dma_start3A_107 : memref<1x!tpu.dma_semaphore, #tpu.memory_space<semaphore_mem>> -> memref<!tpu.dma_semaphore, #tpu.memory_space<semaphore_mem>>
      %dma_start3A_109 = arith.constant 0 : i32
      %dma_start3A_110 = tpu.memref_slice %arg5[%add3A_98, %dma_start3A_109] : memref<819200x64xf32, #tpu.memory_space<hbm>> -> memref<64x64xf32, #tpu.memory_space<hbm>>
      %dma_start3A_111 = arith.constant 0 : i32
      %dma_start3A_112 = arith.constant 0 : i32
      %dma_start3A_113 = tpu.memref_slice %arg8[%dma_start3A_99, %dma_start3A_111, %dma_start3A_112] : memref<4x64x64xf32, #tpu.memory_space<vmem>> -> memref<1x64x64xf32, #tpu.memory_space<vmem>>
      %dma_start3A_114 = tpu.memref_squeeze %dma_start3A_113 : memref<1x64x64xf32, #tpu.memory_space<vmem>> -> memref<64x64xf32, #tpu.memory_space<vmem>>
      tpu.enqueue_dma source(%dma_start3A_114 : memref<64x64xf32, #tpu.memory_space<vmem>>) target(%dma_start3A_110 : memref<64x64xf32, #tpu.memory_space<hbm>>) target_semaphore(%dma_start3A_108 : memref<!tpu.dma_semaphore, #tpu.memory_space<semaphore_mem>>)
      %add3A_115 = arith.constant 2 : i32
      %add3A_116 = arith.addi %add3A_72, %add3A_115 : i32
      %ge3A = arith.constant 4 : i32
      %ge3A_117 = arith.cmpi sge, %add3A_116, %ge3A : i32
      %convert_element_type3A = arith.extui %ge3A_117 : i1 to i32
      %cond3A = arith.constant 0 : i32
      %cond3A_118 = arith.cmpi ne, %convert_element_type3A, %cond3A : i32
      scf.if %cond3A_118 {
        %dma_wait3A_308 = arith.constant 2 : i32
        %dma_wait3A_309 = arith.constant 2 : i32
        %dma_wait3A_310 = arith.constant 0 : i32
        %dma_wait3A_311 = arith.constant 0 : i32
        %dma_wait3A_312 = tpu.memref_slice %arg8[%dma_wait3A_308, %dma_wait3A_310, %dma_wait3A_311] : memref<4x64x64xf32, #tpu.memory_space<vmem>> -> memref<1x64x64xf32, #tpu.memory_space<vmem>>
        %dma_wait3A_313 = tpu.memref_squeeze %dma_wait3A_312 : memref<1x64x64xf32, #tpu.memory_space<vmem>> -> memref<64x64xf32, #tpu.memory_space<vmem>>
        %dma_wait3A_314 = arith.constant 0 : i32
        %dma_wait3A_315 = arith.constant 0 : i32
        %dma_wait3A_316 = tpu.memref_slice %arg5[%dma_wait3A_314, %dma_wait3A_315] : memref<819200x64xf32, #tpu.memory_space<hbm>> -> memref<64x64xf32, #tpu.memory_space<hbm>>
        %dma_wait3A_317 = tpu.memref_slice %arg11[%dma_wait3A_309] : memref<4x!tpu.dma_semaphore, #tpu.memory_space<semaphore_mem>> -> memref<1x!tpu.dma_semaphore, #tpu.memory_space<semaphore_mem>>
        %dma_wait3A_318 = tpu.memref_squeeze %dma_wait3A_317 : memref<1x!tpu.dma_semaphore, #tpu.memory_space<semaphore_mem>> -> memref<!tpu.dma_semaphore, #tpu.memory_space<semaphore_mem>>
        %dma_wait3A_319 = arith.constant 0 : i32
        %dma_wait3A_320 = arith.constant 0 : i32
        %dma_wait3A_321 = tpu.memref_slice %arg5[%dma_wait3A_319, %dma_wait3A_320] : memref<819200x64xf32, #tpu.memory_space<hbm>> -> memref<64x64xf32, #tpu.memory_space<hbm>>
        %dma_wait3A_322 = arith.constant 0 : i32
        %dma_wait3A_323 = arith.constant 0 : i32
        %dma_wait3A_324 = tpu.memref_slice %arg8[%dma_wait3A_308, %dma_wait3A_322, %dma_wait3A_323] : memref<4x64x64xf32, #tpu.memory_space<vmem>> -> memref<1x64x64xf32, #tpu.memory_space<vmem>>
        %dma_wait3A_325 = tpu.memref_squeeze %dma_wait3A_324 : memref<1x64x64xf32, #tpu.memory_space<vmem>> -> memref<64x64xf32, #tpu.memory_space<vmem>>
        tpu.wait_dma2 semaphore(%dma_wait3A_318 : memref<!tpu.dma_semaphore, #tpu.memory_space<semaphore_mem>>) src(%dma_wait3A_325 : memref<64x64xf32, #tpu.memory_space<vmem>>) dst(%dma_wait3A_321 : memref<64x64xf32, #tpu.memory_space<hbm>>)
      } else {
      }
      %add3A_119 = arith.constant 2 : i32
      %add3A_120 = arith.addi %add3A_72, %add3A_119 : i32
      %lt3A = arith.constant 400 : i32
      %lt3A_121 = arith.cmpi slt, %add3A_120, %lt3A : i32
      %convert_element_type3A_122 = arith.extui %lt3A_121 : i1 to i32
      %cond3A_123 = arith.constant 0 : i32
      %cond3A_124 = arith.cmpi ne, %convert_element_type3A_122, %cond3A_123 : i32
      scf.if %cond3A_124 {
        %add3A_308 = arith.constant 2 : i32
        %add3A_309 = arith.addi %add3A_72, %add3A_308 : i32
        %mul3A_310 = arith.constant 64 : i32
        %mul3A_311 = arith.muli %add3A_309, %mul3A_310 : i32
        %dma_start3A_312 = arith.constant 2 : i32
        %dma_start3A_313 = arith.constant 2 : i32
        %dma_start3A_314 = arith.constant 0 : i32
        %dma_start3A_315 = arith.constant 0 : i32
        %dma_start3A_316 = tpu.memref_slice %arg7[%dma_start3A_312, %dma_start3A_314, %dma_start3A_315] : memref<4x64x128xf32, #tpu.memory_space<vmem>> -> memref<1x64x128xf32, #tpu.memory_space<vmem>>
        %dma_start3A_317 = tpu.memref_squeeze %dma_start3A_316 : memref<1x64x128xf32, #tpu.memory_space<vmem>> -> memref<64x128xf32, #tpu.memory_space<vmem>>
        %dma_start3A_318 = tpu.memref_slice %arg6[%mul3A_311] : memref<25600xi32, #tpu.memory_space<vmem>> -> memref<64xi32, #tpu.memory_space<vmem>>
        %dma_start3A_319 = arith.constant 0 : i32
        %dma_start3A_320 = arith.constant 0 : i32
        %dma_start3A_321 = tpu.memref_slice %arg3[%dma_start3A_319, %dma_start3A_320] : memref<100000x128xf32, #tpu.memory_space<hbm>> -> memref<100000x128xf32, #tpu.memory_space<hbm>>
        %dma_start3A_322 = tpu.memref_slice %arg10[%dma_start3A_313] : memref<4x!tpu.dma_semaphore, #tpu.memory_space<semaphore_mem>> -> memref<1x!tpu.dma_semaphore, #tpu.memory_space<semaphore_mem>>
        %dma_start3A_323 = tpu.memref_squeeze %dma_start3A_322 : memref<1x!tpu.dma_semaphore, #tpu.memory_space<semaphore_mem>> -> memref<!tpu.dma_semaphore, #tpu.memory_space<semaphore_mem>>
        tpu.enqueue_indirect_dma source(%dma_start3A_321 : memref<100000x128xf32, #tpu.memory_space<hbm>>) target(%dma_start3A_317 : memref<64x128xf32, #tpu.memory_space<vmem>>) offsets(%dma_start3A_318 : memref<64xi32, #tpu.memory_space<vmem>>) semaphore(%dma_start3A_323 : memref<!tpu.dma_semaphore, #tpu.memory_space<semaphore_mem>>)
      } else {
      }
      %mul3A_125 = arith.constant 4 : i32
      %mul3A_126 = arith.muli %scan3A_68, %mul3A_125 : i32
      %add3A_127 = arith.constant 1 : i32
      %add3A_128 = arith.addi %mul3A_126, %add3A_127 : i32
      %mul3A_129 = arith.constant 64 : i32
      %mul3A_130 = arith.muli %add3A_128, %mul3A_129 : i32
      %dma_wait3A_131 = arith.constant 1 : i32
      %dma_wait3A_132 = arith.constant 1 : i32
      %dma_wait3A_133 = arith.constant 0 : i32
      %dma_wait3A_134 = arith.constant 0 : i32
      %dma_wait3A_135 = tpu.memref_slice %arg7[%dma_wait3A_131, %dma_wait3A_133, %dma_wait3A_134] : memref<4x64x128xf32, #tpu.memory_space<vmem>> -> memref<1x64x128xf32, #tpu.memory_space<vmem>>
      %dma_wait3A_136 = tpu.memref_squeeze %dma_wait3A_135 : memref<1x64x128xf32, #tpu.memory_space<vmem>> -> memref<64x128xf32, #tpu.memory_space<vmem>>
      %dma_wait3A_137 = tpu.memref_slice %arg6[%mul3A_130] : memref<25600xi32, #tpu.memory_space<vmem>> -> memref<64xi32, #tpu.memory_space<vmem>>
      %dma_wait3A_138 = arith.constant 0 : i32
      %dma_wait3A_139 = arith.constant 0 : i32
      %dma_wait3A_140 = tpu.memref_slice %arg3[%dma_wait3A_138, %dma_wait3A_139] : memref<100000x128xf32, #tpu.memory_space<hbm>> -> memref<100000x128xf32, #tpu.memory_space<hbm>>
      %dma_wait3A_141 = tpu.memref_slice %arg10[%dma_wait3A_132] : memref<4x!tpu.dma_semaphore, #tpu.memory_space<semaphore_mem>> -> memref<1x!tpu.dma_semaphore, #tpu.memory_space<semaphore_mem>>
      %dma_wait3A_142 = tpu.memref_squeeze %dma_wait3A_141 : memref<1x!tpu.dma_semaphore, #tpu.memory_space<semaphore_mem>> -> memref<!tpu.dma_semaphore, #tpu.memory_space<semaphore_mem>>
      tpu.wait_indirect_dma semaphore(%dma_wait3A_142 : memref<!tpu.dma_semaphore, #tpu.memory_space<semaphore_mem>>) src(%dma_wait3A_140 : memref<100000x128xf32, #tpu.memory_space<hbm>>) dst(%dma_wait3A_136 : memref<64x128xf32, #tpu.memory_space<vmem>>)
      %mul3A_143 = arith.constant 64 : i32
      %mul3A_144 = arith.muli %add3A_128, %mul3A_143 : i32
      %rem3A_145 = arith.constant 200 : i32
      %rem3A_146 = arith.remsi %mul3A_144, %rem3A_145 : i32
      %scan3A_147 = arith.constant 0 : i32
      %scan3A_148 = arith.constant 0 : i32
      %scan3A_149 = arith.constant 64 : i32
      %scan3A_150 = arith.addi %scan3A_148, %scan3A_149 : i32
      %scan3A_151 = arith.constant 1 : i32
      scf.for %scan3A_308 = %scan3A_148 to %scan3A_150 step %scan3A_151  : i32 {
        %add3A_309 = arith.addi %rem3A_146, %scan3A_308 : i32
        %ge3A_310 = arith.constant 200 : i32
        %ge3A_311 = arith.cmpi sge, %add3A_309, %ge3A_310 : i32
        %sub3A = arith.constant 200 : i32
        %sub3A_312 = arith.subi %add3A_309, %sub3A : i32
        %select_n3A = arith.select %ge3A_311, %sub3A_312, %add3A_309 : i32
        %get3A = arith.constant 1 : i32
        %get3A_313 = arith.index_cast %get3A : i32 to index
        %get3A_314 = arith.index_cast %scan3A_308 : i32 to index
        %get3A_315 = arith.constant 0 : index
        %get3A_316 = tpu.vector_load %arg7[%get3A_313, %get3A_314, %get3A_315] {strides = array<i32>} : memref<4x64x128xf32, #tpu.memory_space<vmem>>, vector<1x1x16xf32>,
        %get3A_317 = vector.shape_cast %get3A_316 : vector<1x1x16xf32> to vector<16xf32>
        %get3A_318 = arith.index_cast %select_n3A : i32 to index
        %get3A_319 = arith.constant 0 : index
        %get3A_320 = tpu.vector_load %arg9[%get3A_318, %get3A_319] {strides = array<i32>} : memref<200x64xf32, #tpu.memory_space<vmem>>, vector<1x16xf32>,
        %get3A_321 = vector.shape_cast %get3A_320 : vector<1x16xf32> to vector<16xf32>
        %add3A_322 = arith.addf %get3A_317, %get3A_321 : vector<16xf32>
        %swap3A = arith.constant 1 : i32
        %swap3A_323 = arith.index_cast %swap3A : i32 to index
        %swap3A_324 = arith.index_cast %scan3A_308 : i32 to index
        %swap3A_325 = arith.constant 0 : index
        %swap3A_326 = tpu.vector_load %arg8[%swap3A_323, %swap3A_324, %swap3A_325] {strides = array<i32>} : memref<4x64x64xf32, #tpu.memory_space<vmem>>, vector<1x1x16xf32>,
        %swap3A_327 = vector.shape_cast %swap3A_326 : vector<1x1x16xf32> to vector<16xf32>
        %swap3A_328 = vector.shape_cast %add3A_322 : vector<16xf32> to vector<1x1x16xf32>
        tpu.vector_store %arg8[%swap3A_323, %swap3A_324, %swap3A_325], %swap3A_328 {strides = array<i32>} : memref<4x64x64xf32, #tpu.memory_space<vmem>>, vector<1x1x16xf32>,
        %get3A_329 = arith.constant 1 : i32
        %get3A_330 = arith.index_cast %get3A_329 : i32 to index
        %get3A_331 = arith.index_cast %scan3A_308 : i32 to index
        %get3A_332 = arith.constant 16 : index
        %get3A_333 = tpu.vector_load %arg7[%get3A_330, %get3A_331, %get3A_332] {strides = array<i32>} : memref<4x64x128xf32, #tpu.memory_space<vmem>>, vector<1x1x16xf32>,
        %get3A_334 = vector.shape_cast %get3A_333 : vector<1x1x16xf32> to vector<16xf32>
        %get3A_335 = arith.index_cast %select_n3A : i32 to index
        %get3A_336 = arith.constant 16 : index
        %get3A_337 = tpu.vector_load %arg9[%get3A_335, %get3A_336] {strides = array<i32>} : memref<200x64xf32, #tpu.memory_space<vmem>>, vector<1x16xf32>,
        %get3A_338 = vector.shape_cast %get3A_337 : vector<1x16xf32> to vector<16xf32>
        %add3A_339 = arith.addf %get3A_334, %get3A_338 : vector<16xf32>
        %swap3A_340 = arith.constant 1 : i32
        %swap3A_341 = arith.index_cast %swap3A_340 : i32 to index
        %swap3A_342 = arith.index_cast %scan3A_308 : i32 to index
        %swap3A_343 = arith.constant 16 : index
        %swap3A_344 = tpu.vector_load %arg8[%swap3A_341, %swap3A_342, %swap3A_343] {strides = array<i32>} : memref<4x64x64xf32, #tpu.memory_space<vmem>>, vector<1x1x16xf32>,
        %swap3A_345 = vector.shape_cast %swap3A_344 : vector<1x1x16xf32> to vector<16xf32>
        %swap3A_346 = vector.shape_cast %add3A_339 : vector<16xf32> to vector<1x1x16xf32>
        tpu.vector_store %arg8[%swap3A_341, %swap3A_342, %swap3A_343], %swap3A_346 {strides = array<i32>} : memref<4x64x64xf32, #tpu.memory_space<vmem>>, vector<1x1x16xf32>,
        %get3A_347 = arith.constant 1 : i32
        %get3A_348 = arith.index_cast %get3A_347 : i32 to index
        %get3A_349 = arith.index_cast %scan3A_308 : i32 to index
        %get3A_350 = arith.constant 32 : index
        %get3A_351 = tpu.vector_load %arg7[%get3A_348, %get3A_349, %get3A_350] {strides = array<i32>} : memref<4x64x128xf32, #tpu.memory_space<vmem>>, vector<1x1x16xf32>,
        %get3A_352 = vector.shape_cast %get3A_351 : vector<1x1x16xf32> to vector<16xf32>
        %get3A_353 = arith.index_cast %select_n3A : i32 to index
        %get3A_354 = arith.constant 32 : index
        %get3A_355 = tpu.vector_load %arg9[%get3A_353, %get3A_354] {strides = array<i32>} : memref<200x64xf32, #tpu.memory_space<vmem>>, vector<1x16xf32>,
        %get3A_356 = vector.shape_cast %get3A_355 : vector<1x16xf32> to vector<16xf32>
        %add3A_357 = arith.addf %get3A_352, %get3A_356 : vector<16xf32>
        %swap3A_358 = arith.constant 1 : i32
        %swap3A_359 = arith.index_cast %swap3A_358 : i32 to index
        %swap3A_360 = arith.index_cast %scan3A_308 : i32 to index
        %swap3A_361 = arith.constant 32 : index
        %swap3A_362 = tpu.vector_load %arg8[%swap3A_359, %swap3A_360, %swap3A_361] {strides = array<i32>} : memref<4x64x64xf32, #tpu.memory_space<vmem>>, vector<1x1x16xf32>,
        %swap3A_363 = vector.shape_cast %swap3A_362 : vector<1x1x16xf32> to vector<16xf32>
        %swap3A_364 = vector.shape_cast %add3A_357 : vector<16xf32> to vector<1x1x16xf32>
        tpu.vector_store %arg8[%swap3A_359, %swap3A_360, %swap3A_361], %swap3A_364 {strides = array<i32>} : memref<4x64x64xf32, #tpu.memory_space<vmem>>, vector<1x1x16xf32>,
        %get3A_365 = arith.constant 1 : i32
        %get3A_366 = arith.index_cast %get3A_365 : i32 to index
        %get3A_367 = arith.index_cast %scan3A_308 : i32 to index
        %get3A_368 = arith.constant 48 : index
        %get3A_369 = tpu.vector_load %arg7[%get3A_366, %get3A_367, %get3A_368] {strides = array<i32>} : memref<4x64x128xf32, #tpu.memory_space<vmem>>, vector<1x1x16xf32>,
        %get3A_370 = vector.shape_cast %get3A_369 : vector<1x1x16xf32> to vector<16xf32>
        %get3A_371 = arith.index_cast %select_n3A : i32 to index
        %get3A_372 = arith.constant 48 : index
        %get3A_373 = tpu.vector_load %arg9[%get3A_371, %get3A_372] {strides = array<i32>} : memref<200x64xf32, #tpu.memory_space<vmem>>, vector<1x16xf32>,
        %get3A_374 = vector.shape_cast %get3A_373 : vector<1x16xf32> to vector<16xf32>
        %add3A_375 = arith.addf %get3A_370, %get3A_374 : vector<16xf32>
        %swap3A_376 = arith.constant 1 : i32
        %swap3A_377 = arith.index_cast %swap3A_376 : i32 to index
        %swap3A_378 = arith.index_cast %scan3A_308 : i32 to index
        %swap3A_379 = arith.constant 48 : index
        %swap3A_380 = tpu.vector_load %arg8[%swap3A_377, %swap3A_378, %swap3A_379] {strides = array<i32>} : memref<4x64x64xf32, #tpu.memory_space<vmem>>, vector<1x1x16xf32>,
        %swap3A_381 = vector.shape_cast %swap3A_380 : vector<1x1x16xf32> to vector<16xf32>
        %swap3A_382 = vector.shape_cast %add3A_375 : vector<16xf32> to vector<1x1x16xf32>
        tpu.vector_store %arg8[%swap3A_377, %swap3A_378, %swap3A_379], %swap3A_382 {strides = array<i32>} : memref<4x64x64xf32, #tpu.memory_space<vmem>>, vector<1x1x16xf32>,
      }
      %scan3A_152 = arith.constant 64 : i32
      %mul3A_153 = arith.constant 64 : i32
      %mul3A_154 = arith.muli %add3A_128, %mul3A_153 : i32
      %add3A_155 = arith.addi %mul3A_2, %mul3A_154 : i32
      %dma_start3A_156 = arith.constant 1 : i32
      %dma_start3A_157 = arith.constant 1 : i32
      %dma_start3A_158 = arith.constant 0 : i32
      %dma_start3A_159 = arith.constant 0 : i32
      %dma_start3A_160 = tpu.memref_slice %arg8[%dma_start3A_156, %dma_start3A_158, %dma_start3A_159] : memref<4x64x64xf32, #tpu.memory_space<vmem>> -> memref<1x64x64xf32, #tpu.memory_space<vmem>>
      %dma_start3A_161 = tpu.memref_squeeze %dma_start3A_160 : memref<1x64x64xf32, #tpu.memory_space<vmem>> -> memref<64x64xf32, #tpu.memory_space<vmem>>
      %dma_start3A_162 = arith.constant 0 : i32
      %dma_start3A_163 = tpu.memref_slice %arg5[%add3A_155, %dma_start3A_162] : memref<819200x64xf32, #tpu.memory_space<hbm>> -> memref<64x64xf32, #tpu.memory_space<hbm>>
      %dma_start3A_164 = tpu.memref_slice %arg11[%dma_start3A_157] : memref<4x!tpu.dma_semaphore, #tpu.memory_space<semaphore_mem>> -> memref<1x!tpu.dma_semaphore, #tpu.memory_space<semaphore_mem>>
      %dma_start3A_165 = tpu.memref_squeeze %dma_start3A_164 : memref<1x!tpu.dma_semaphore, #tpu.memory_space<semaphore_mem>> -> memref<!tpu.dma_semaphore, #tpu.memory_space<semaphore_mem>>
      %dma_start3A_166 = arith.constant 0 : i32
      %dma_start3A_167 = tpu.memref_slice %arg5[%add3A_155, %dma_start3A_166] : memref<819200x64xf32, #tpu.memory_space<hbm>> -> memref<64x64xf32, #tpu.memory_space<hbm>>
      %dma_start3A_168 = arith.constant 0 : i32
      %dma_start3A_169 = arith.constant 0 : i32
      %dma_start3A_170 = tpu.memref_slice %arg8[%dma_start3A_156, %dma_start3A_168, %dma_start3A_169] : memref<4x64x64xf32, #tpu.memory_space<vmem>> -> memref<1x64x64xf32, #tpu.memory_space<vmem>>
      %dma_start3A_171 = tpu.memref_squeeze %dma_start3A_170 : memref<1x64x64xf32, #tpu.memory_space<vmem>> -> memref<64x64xf32, #tpu.memory_space<vmem>>
      tpu.enqueue_dma source(%dma_start3A_171 : memref<64x64xf32, #tpu.memory_space<vmem>>) target(%dma_start3A_167 : memref<64x64xf32, #tpu.memory_space<hbm>>) target_semaphore(%dma_start3A_165 : memref<!tpu.dma_semaphore, #tpu.memory_space<semaphore_mem>>)
      %add3A_172 = arith.constant 2 : i32
      %add3A_173 = arith.addi %add3A_128, %add3A_172 : i32
      %ge3A_174 = arith.constant 4 : i32
      %ge3A_175 = arith.cmpi sge, %add3A_173, %ge3A_174 : i32
      %convert_element_type3A_176 = arith.extui %ge3A_175 : i1 to i32
      %cond3A_177 = arith.constant 0 : i32
      %cond3A_178 = arith.cmpi ne, %convert_element_type3A_176, %cond3A_177 : i32
      scf.if %cond3A_178 {
        %dma_wait3A_308 = arith.constant 3 : i32
        %dma_wait3A_309 = arith.constant 3 : i32
        %dma_wait3A_310 = arith.constant 0 : i32
        %dma_wait3A_311 = arith.constant 0 : i32
        %dma_wait3A_312 = tpu.memref_slice %arg8[%dma_wait3A_308, %dma_wait3A_310, %dma_wait3A_311] : memref<4x64x64xf32, #tpu.memory_space<vmem>> -> memref<1x64x64xf32, #tpu.memory_space<vmem>>
        %dma_wait3A_313 = tpu.memref_squeeze %dma_wait3A_312 : memref<1x64x64xf32, #tpu.memory_space<vmem>> -> memref<64x64xf32, #tpu.memory_space<vmem>>
        %dma_wait3A_314 = arith.constant 0 : i32
        %dma_wait3A_315 = arith.constant 0 : i32
        %dma_wait3A_316 = tpu.memref_slice %arg5[%dma_wait3A_314, %dma_wait3A_315] : memref<819200x64xf32, #tpu.memory_space<hbm>> -> memref<64x64xf32, #tpu.memory_space<hbm>>
        %dma_wait3A_317 = tpu.memref_slice %arg11[%dma_wait3A_309] : memref<4x!tpu.dma_semaphore, #tpu.memory_space<semaphore_mem>> -> memref<1x!tpu.dma_semaphore, #tpu.memory_space<semaphore_mem>>
        %dma_wait3A_318 = tpu.memref_squeeze %dma_wait3A_317 : memref<1x!tpu.dma_semaphore, #tpu.memory_space<semaphore_mem>> -> memref<!tpu.dma_semaphore, #tpu.memory_space<semaphore_mem>>
        %dma_wait3A_319 = arith.constant 0 : i32
        %dma_wait3A_320 = arith.constant 0 : i32
        %dma_wait3A_321 = tpu.memref_slice %arg5[%dma_wait3A_319, %dma_wait3A_320] : memref<819200x64xf32, #tpu.memory_space<hbm>> -> memref<64x64xf32, #tpu.memory_space<hbm>>
        %dma_wait3A_322 = arith.constant 0 : i32
        %dma_wait3A_323 = arith.constant 0 : i32
        %dma_wait3A_324 = tpu.memref_slice %arg8[%dma_wait3A_308, %dma_wait3A_322, %dma_wait3A_323] : memref<4x64x64xf32, #tpu.memory_space<vmem>> -> memref<1x64x64xf32, #tpu.memory_space<vmem>>
        %dma_wait3A_325 = tpu.memref_squeeze %dma_wait3A_324 : memref<1x64x64xf32, #tpu.memory_space<vmem>> -> memref<64x64xf32, #tpu.memory_space<vmem>>
        tpu.wait_dma2 semaphore(%dma_wait3A_318 : memref<!tpu.dma_semaphore, #tpu.memory_space<semaphore_mem>>) src(%dma_wait3A_325 : memref<64x64xf32, #tpu.memory_space<vmem>>) dst(%dma_wait3A_321 : memref<64x64xf32, #tpu.memory_space<hbm>>)
      } else {
      }
      %add3A_179 = arith.constant 2 : i32
      %add3A_180 = arith.addi %add3A_128, %add3A_179 : i32
      %lt3A_181 = arith.constant 400 : i32
      %lt3A_182 = arith.cmpi slt, %add3A_180, %lt3A_181 : i32
      %convert_element_type3A_183 = arith.extui %lt3A_182 : i1 to i32
      %cond3A_184 = arith.constant 0 : i32
      %cond3A_185 = arith.cmpi ne, %convert_element_type3A_183, %cond3A_184 : i32
      scf.if %cond3A_185 {
        %add3A_308 = arith.constant 2 : i32
        %add3A_309 = arith.addi %add3A_128, %add3A_308 : i32
        %mul3A_310 = arith.constant 64 : i32
        %mul3A_311 = arith.muli %add3A_309, %mul3A_310 : i32
        %dma_start3A_312 = arith.constant 3 : i32
        %dma_start3A_313 = arith.constant 3 : i32
        %dma_start3A_314 = arith.constant 0 : i32
        %dma_start3A_315 = arith.constant 0 : i32
        %dma_start3A_316 = tpu.memref_slice %arg7[%dma_start3A_312, %dma_start3A_314, %dma_start3A_315] : memref<4x64x128xf32, #tpu.memory_space<vmem>> -> memref<1x64x128xf32, #tpu.memory_space<vmem>>
        %dma_start3A_317 = tpu.memref_squeeze %dma_start3A_316 : memref<1x64x128xf32, #tpu.memory_space<vmem>> -> memref<64x128xf32, #tpu.memory_space<vmem>>
        %dma_start3A_318 = tpu.memref_slice %arg6[%mul3A_311] : memref<25600xi32, #tpu.memory_space<vmem>> -> memref<64xi32, #tpu.memory_space<vmem>>
        %dma_start3A_319 = arith.constant 0 : i32
        %dma_start3A_320 = arith.constant 0 : i32
        %dma_start3A_321 = tpu.memref_slice %arg3[%dma_start3A_319, %dma_start3A_320] : memref<100000x128xf32, #tpu.memory_space<hbm>> -> memref<100000x128xf32, #tpu.memory_space<hbm>>
        %dma_start3A_322 = tpu.memref_slice %arg10[%dma_start3A_313] : memref<4x!tpu.dma_semaphore, #tpu.memory_space<semaphore_mem>> -> memref<1x!tpu.dma_semaphore, #tpu.memory_space<semaphore_mem>>
        %dma_start3A_323 = tpu.memref_squeeze %dma_start3A_322 : memref<1x!tpu.dma_semaphore, #tpu.memory_space<semaphore_mem>> -> memref<!tpu.dma_semaphore, #tpu.memory_space<semaphore_mem>>
        tpu.enqueue_indirect_dma source(%dma_start3A_321 : memref<100000x128xf32, #tpu.memory_space<hbm>>) target(%dma_start3A_317 : memref<64x128xf32, #tpu.memory_space<vmem>>) offsets(%dma_start3A_318 : memref<64xi32, #tpu.memory_space<vmem>>) semaphore(%dma_start3A_323 : memref<!tpu.dma_semaphore, #tpu.memory_space<semaphore_mem>>)
      } else {
      }
      %mul3A_186 = arith.constant 4 : i32
      %mul3A_187 = arith.muli %scan3A_68, %mul3A_186 : i32
      %add3A_188 = arith.constant 2 : i32
      %add3A_189 = arith.addi %mul3A_187, %add3A_188 : i32
      %mul3A_190 = arith.constant 64 : i32
      %mul3A_191 = arith.muli %add3A_189, %mul3A_190 : i32
      %dma_wait3A_192 = arith.constant 2 : i32
      %dma_wait3A_193 = arith.constant 2 : i32
      %dma_wait3A_194 = arith.constant 0 : i32
      %dma_wait3A_195 = arith.constant 0 : i32
      %dma_wait3A_196 = tpu.memref_slice %arg7[%dma_wait3A_192, %dma_wait3A_194, %dma_wait3A_195] : memref<4x64x128xf32, #tpu.memory_space<vmem>> -> memref<1x64x128xf32, #tpu.memory_space<vmem>>
      %dma_wait3A_197 = tpu.memref_squeeze %dma_wait3A_196 : memref<1x64x128xf32, #tpu.memory_space<vmem>> -> memref<64x128xf32, #tpu.memory_space<vmem>>
      %dma_wait3A_198 = tpu.memref_slice %arg6[%mul3A_191] : memref<25600xi32, #tpu.memory_space<vmem>> -> memref<64xi32, #tpu.memory_space<vmem>>
      %dma_wait3A_199 = arith.constant 0 : i32
      %dma_wait3A_200 = arith.constant 0 : i32
      %dma_wait3A_201 = tpu.memref_slice %arg3[%dma_wait3A_199, %dma_wait3A_200] : memref<100000x128xf32, #tpu.memory_space<hbm>> -> memref<100000x128xf32, #tpu.memory_space<hbm>>
      %dma_wait3A_202 = tpu.memref_slice %arg10[%dma_wait3A_193] : memref<4x!tpu.dma_semaphore, #tpu.memory_space<semaphore_mem>> -> memref<1x!tpu.dma_semaphore, #tpu.memory_space<semaphore_mem>>
      %dma_wait3A_203 = tpu.memref_squeeze %dma_wait3A_202 : memref<1x!tpu.dma_semaphore, #tpu.memory_space<semaphore_mem>> -> memref<!tpu.dma_semaphore, #tpu.memory_space<semaphore_mem>>
      tpu.wait_indirect_dma semaphore(%dma_wait3A_203 : memref<!tpu.dma_semaphore, #tpu.memory_space<semaphore_mem>>) src(%dma_wait3A_201 : memref<100000x128xf32, #tpu.memory_space<hbm>>) dst(%dma_wait3A_197 : memref<64x128xf32, #tpu.memory_space<vmem>>)
      %mul3A_204 = arith.constant 64 : i32
      %mul3A_205 = arith.muli %add3A_189, %mul3A_204 : i32
      %rem3A_206 = arith.constant 200 : i32
      %rem3A_207 = arith.remsi %mul3A_205, %rem3A_206 : i32
      %scan3A_208 = arith.constant 0 : i32
      %scan3A_209 = arith.constant 0 : i32
      %scan3A_210 = arith.constant 64 : i32
      %scan3A_211 = arith.addi %scan3A_209, %scan3A_210 : i32
      %scan3A_212 = arith.constant 1 : i32
      scf.for %scan3A_308 = %scan3A_209 to %scan3A_211 step %scan3A_212  : i32 {
        %add3A_309 = arith.addi %rem3A_207, %scan3A_308 : i32
        %ge3A_310 = arith.constant 200 : i32
        %ge3A_311 = arith.cmpi sge, %add3A_309, %ge3A_310 : i32
        %sub3A = arith.constant 200 : i32
        %sub3A_312 = arith.subi %add3A_309, %sub3A : i32
        %select_n3A = arith.select %ge3A_311, %sub3A_312, %add3A_309 : i32
        %get3A = arith.constant 2 : i32
        %get3A_313 = arith.index_cast %get3A : i32 to index
        %get3A_314 = arith.index_cast %scan3A_308 : i32 to index
        %get3A_315 = arith.constant 0 : index
        %get3A_316 = tpu.vector_load %arg7[%get3A_313, %get3A_314, %get3A_315] {strides = array<i32>} : memref<4x64x128xf32, #tpu.memory_space<vmem>>, vector<1x1x16xf32>,
        %get3A_317 = vector.shape_cast %get3A_316 : vector<1x1x16xf32> to vector<16xf32>
        %get3A_318 = arith.index_cast %select_n3A : i32 to index
        %get3A_319 = arith.constant 0 : index
        %get3A_320 = tpu.vector_load %arg9[%get3A_318, %get3A_319] {strides = array<i32>} : memref<200x64xf32, #tpu.memory_space<vmem>>, vector<1x16xf32>,
        %get3A_321 = vector.shape_cast %get3A_320 : vector<1x16xf32> to vector<16xf32>
        %add3A_322 = arith.addf %get3A_317, %get3A_321 : vector<16xf32>
        %swap3A = arith.constant 2 : i32
        %swap3A_323 = arith.index_cast %swap3A : i32 to index
        %swap3A_324 = arith.index_cast %scan3A_308 : i32 to index
        %swap3A_325 = arith.constant 0 : index
        %swap3A_326 = tpu.vector_load %arg8[%swap3A_323, %swap3A_324, %swap3A_325] {strides = array<i32>} : memref<4x64x64xf32, #tpu.memory_space<vmem>>, vector<1x1x16xf32>,
        %swap3A_327 = vector.shape_cast %swap3A_326 : vector<1x1x16xf32> to vector<16xf32>
        %swap3A_328 = vector.shape_cast %add3A_322 : vector<16xf32> to vector<1x1x16xf32>
        tpu.vector_store %arg8[%swap3A_323, %swap3A_324, %swap3A_325], %swap3A_328 {strides = array<i32>} : memref<4x64x64xf32, #tpu.memory_space<vmem>>, vector<1x1x16xf32>,
        %get3A_329 = arith.constant 2 : i32
        %get3A_330 = arith.index_cast %get3A_329 : i32 to index
        %get3A_331 = arith.index_cast %scan3A_308 : i32 to index
        %get3A_332 = arith.constant 16 : index
        %get3A_333 = tpu.vector_load %arg7[%get3A_330, %get3A_331, %get3A_332] {strides = array<i32>} : memref<4x64x128xf32, #tpu.memory_space<vmem>>, vector<1x1x16xf32>,
        %get3A_334 = vector.shape_cast %get3A_333 : vector<1x1x16xf32> to vector<16xf32>
        %get3A_335 = arith.index_cast %select_n3A : i32 to index
        %get3A_336 = arith.constant 16 : index
        %get3A_337 = tpu.vector_load %arg9[%get3A_335, %get3A_336] {strides = array<i32>} : memref<200x64xf32, #tpu.memory_space<vmem>>, vector<1x16xf32>,
        %get3A_338 = vector.shape_cast %get3A_337 : vector<1x16xf32> to vector<16xf32>
        %add3A_339 = arith.addf %get3A_334, %get3A_338 : vector<16xf32>
        %swap3A_340 = arith.constant 2 : i32
        %swap3A_341 = arith.index_cast %swap3A_340 : i32 to index
        %swap3A_342 = arith.index_cast %scan3A_308 : i32 to index
        %swap3A_343 = arith.constant 16 : index
        %swap3A_344 = tpu.vector_load %arg8[%swap3A_341, %swap3A_342, %swap3A_343] {strides = array<i32>} : memref<4x64x64xf32, #tpu.memory_space<vmem>>, vector<1x1x16xf32>,
        %swap3A_345 = vector.shape_cast %swap3A_344 : vector<1x1x16xf32> to vector<16xf32>
        %swap3A_346 = vector.shape_cast %add3A_339 : vector<16xf32> to vector<1x1x16xf32>
        tpu.vector_store %arg8[%swap3A_341, %swap3A_342, %swap3A_343], %swap3A_346 {strides = array<i32>} : memref<4x64x64xf32, #tpu.memory_space<vmem>>, vector<1x1x16xf32>,
        %get3A_347 = arith.constant 2 : i32
        %get3A_348 = arith.index_cast %get3A_347 : i32 to index
        %get3A_349 = arith.index_cast %scan3A_308 : i32 to index
        %get3A_350 = arith.constant 32 : index
        %get3A_351 = tpu.vector_load %arg7[%get3A_348, %get3A_349, %get3A_350] {strides = array<i32>} : memref<4x64x128xf32, #tpu.memory_space<vmem>>, vector<1x1x16xf32>,
        %get3A_352 = vector.shape_cast %get3A_351 : vector<1x1x16xf32> to vector<16xf32>
        %get3A_353 = arith.index_cast %select_n3A : i32 to index
        %get3A_354 = arith.constant 32 : index
        %get3A_355 = tpu.vector_load %arg9[%get3A_353, %get3A_354] {strides = array<i32>} : memref<200x64xf32, #tpu.memory_space<vmem>>, vector<1x16xf32>,
        %get3A_356 = vector.shape_cast %get3A_355 : vector<1x16xf32> to vector<16xf32>
        %add3A_357 = arith.addf %get3A_352, %get3A_356 : vector<16xf32>
        %swap3A_358 = arith.constant 2 : i32
        %swap3A_359 = arith.index_cast %swap3A_358 : i32 to index
        %swap3A_360 = arith.index_cast %scan3A_308 : i32 to index
        %swap3A_361 = arith.constant 32 : index
        %swap3A_362 = tpu.vector_load %arg8[%swap3A_359, %swap3A_360, %swap3A_361] {strides = array<i32>} : memref<4x64x64xf32, #tpu.memory_space<vmem>>, vector<1x1x16xf32>,
        %swap3A_363 = vector.shape_cast %swap3A_362 : vector<1x1x16xf32> to vector<16xf32>
        %swap3A_364 = vector.shape_cast %add3A_357 : vector<16xf32> to vector<1x1x16xf32>
        tpu.vector_store %arg8[%swap3A_359, %swap3A_360, %swap3A_361], %swap3A_364 {strides = array<i32>} : memref<4x64x64xf32, #tpu.memory_space<vmem>>, vector<1x1x16xf32>,
        %get3A_365 = arith.constant 2 : i32
        %get3A_366 = arith.index_cast %get3A_365 : i32 to index
        %get3A_367 = arith.index_cast %scan3A_308 : i32 to index
        %get3A_368 = arith.constant 48 : index
        %get3A_369 = tpu.vector_load %arg7[%get3A_366, %get3A_367, %get3A_368] {strides = array<i32>} : memref<4x64x128xf32, #tpu.memory_space<vmem>>, vector<1x1x16xf32>,
        %get3A_370 = vector.shape_cast %get3A_369 : vector<1x1x16xf32> to vector<16xf32>
        %get3A_371 = arith.index_cast %select_n3A : i32 to index
        %get3A_372 = arith.constant 48 : index
        %get3A_373 = tpu.vector_load %arg9[%get3A_371, %get3A_372] {strides = array<i32>} : memref<200x64xf32, #tpu.memory_space<vmem>>, vector<1x16xf32>,
        %get3A_374 = vector.shape_cast %get3A_373 : vector<1x16xf32> to vector<16xf32>
        %add3A_375 = arith.addf %get3A_370, %get3A_374 : vector<16xf32>
        %swap3A_376 = arith.constant 2 : i32
        %swap3A_377 = arith.index_cast %swap3A_376 : i32 to index
        %swap3A_378 = arith.index_cast %scan3A_308 : i32 to index
        %swap3A_379 = arith.constant 48 : index
        %swap3A_380 = tpu.vector_load %arg8[%swap3A_377, %swap3A_378, %swap3A_379] {strides = array<i32>} : memref<4x64x64xf32, #tpu.memory_space<vmem>>, vector<1x1x16xf32>,
        %swap3A_381 = vector.shape_cast %swap3A_380 : vector<1x1x16xf32> to vector<16xf32>
        %swap3A_382 = vector.shape_cast %add3A_375 : vector<16xf32> to vector<1x1x16xf32>
        tpu.vector_store %arg8[%swap3A_377, %swap3A_378, %swap3A_379], %swap3A_382 {strides = array<i32>} : memref<4x64x64xf32, #tpu.memory_space<vmem>>, vector<1x1x16xf32>,
      }
      %scan3A_213 = arith.constant 64 : i32
      %mul3A_214 = arith.constant 64 : i32
      %mul3A_215 = arith.muli %add3A_189, %mul3A_214 : i32
      %add3A_216 = arith.addi %mul3A_2, %mul3A_215 : i32
      %dma_start3A_217 = arith.constant 2 : i32
      %dma_start3A_218 = arith.constant 2 : i32
      %dma_start3A_219 = arith.constant 0 : i32
      %dma_start3A_220 = arith.constant 0 : i32
      %dma_start3A_221 = tpu.memref_slice %arg8[%dma_start3A_217, %dma_start3A_219, %dma_start3A_220] : memref<4x64x64xf32, #tpu.memory_space<vmem>> -> memref<1x64x64xf32, #tpu.memory_space<vmem>>
      %dma_start3A_222 = tpu.memref_squeeze %dma_start3A_221 : memref<1x64x64xf32, #tpu.memory_space<vmem>> -> memref<64x64xf32, #tpu.memory_space<vmem>>
      %dma_start3A_223 = arith.constant 0 : i32
      %dma_start3A_224 = tpu.memref_slice %arg5[%add3A_216, %dma_start3A_223] : memref<819200x64xf32, #tpu.memory_space<hbm>> -> memref<64x64xf32, #tpu.memory_space<hbm>>
      %dma_start3A_225 = tpu.memref_slice %arg11[%dma_start3A_218] : memref<4x!tpu.dma_semaphore, #tpu.memory_space<semaphore_mem>> -> memref<1x!tpu.dma_semaphore, #tpu.memory_space<semaphore_mem>>
      %dma_start3A_226 = tpu.memref_squeeze %dma_start3A_225 : memref<1x!tpu.dma_semaphore, #tpu.memory_space<semaphore_mem>> -> memref<!tpu.dma_semaphore, #tpu.memory_space<semaphore_mem>>
      %dma_start3A_227 = arith.constant 0 : i32
      %dma_start3A_228 = tpu.memref_slice %arg5[%add3A_216, %dma_start3A_227] : memref<819200x64xf32, #tpu.memory_space<hbm>> -> memref<64x64xf32, #tpu.memory_space<hbm>>
      %dma_start3A_229 = arith.constant 0 : i32
      %dma_start3A_230 = arith.constant 0 : i32
      %dma_start3A_231 = tpu.memref_slice %arg8[%dma_start3A_217, %dma_start3A_229, %dma_start3A_230] : memref<4x64x64xf32, #tpu.memory_space<vmem>> -> memref<1x64x64xf32, #tpu.memory_space<vmem>>
      %dma_start3A_232 = tpu.memref_squeeze %dma_start3A_231 : memref<1x64x64xf32, #tpu.memory_space<vmem>> -> memref<64x64xf32, #tpu.memory_space<vmem>>
      tpu.enqueue_dma source(%dma_start3A_232 : memref<64x64xf32, #tpu.memory_space<vmem>>) target(%dma_start3A_228 : memref<64x64xf32, #tpu.memory_space<hbm>>) target_semaphore(%dma_start3A_226 : memref<!tpu.dma_semaphore, #tpu.memory_space<semaphore_mem>>)
      %add3A_233 = arith.constant 2 : i32
      %add3A_234 = arith.addi %add3A_189, %add3A_233 : i32
      %ge3A_235 = arith.constant 4 : i32
      %ge3A_236 = arith.cmpi sge, %add3A_234, %ge3A_235 : i32
      %convert_element_type3A_237 = arith.extui %ge3A_236 : i1 to i32
      %cond3A_238 = arith.constant 0 : i32
      %cond3A_239 = arith.cmpi ne, %convert_element_type3A_237, %cond3A_238 : i32
      scf.if %cond3A_239 {
        %dma_wait3A_308 = arith.constant 0 : i32
        %dma_wait3A_309 = arith.constant 0 : i32
        %dma_wait3A_310 = arith.constant 0 : i32
        %dma_wait3A_311 = arith.constant 0 : i32
        %dma_wait3A_312 = tpu.memref_slice %arg8[%dma_wait3A_308, %dma_wait3A_310, %dma_wait3A_311] : memref<4x64x64xf32, #tpu.memory_space<vmem>> -> memref<1x64x64xf32, #tpu.memory_space<vmem>>
        %dma_wait3A_313 = tpu.memref_squeeze %dma_wait3A_312 : memref<1x64x64xf32, #tpu.memory_space<vmem>> -> memref<64x64xf32, #tpu.memory_space<vmem>>
        %dma_wait3A_314 = arith.constant 0 : i32
        %dma_wait3A_315 = arith.constant 0 : i32
        %dma_wait3A_316 = tpu.memref_slice %arg5[%dma_wait3A_314, %dma_wait3A_315] : memref<819200x64xf32, #tpu.memory_space<hbm>> -> memref<64x64xf32, #tpu.memory_space<hbm>>
        %dma_wait3A_317 = tpu.memref_slice %arg11[%dma_wait3A_309] : memref<4x!tpu.dma_semaphore, #tpu.memory_space<semaphore_mem>> -> memref<1x!tpu.dma_semaphore, #tpu.memory_space<semaphore_mem>>
        %dma_wait3A_318 = tpu.memref_squeeze %dma_wait3A_317 : memref<1x!tpu.dma_semaphore, #tpu.memory_space<semaphore_mem>> -> memref<!tpu.dma_semaphore, #tpu.memory_space<semaphore_mem>>
        %dma_wait3A_319 = arith.constant 0 : i32
        %dma_wait3A_320 = arith.constant 0 : i32
        %dma_wait3A_321 = tpu.memref_slice %arg5[%dma_wait3A_319, %dma_wait3A_320] : memref<819200x64xf32, #tpu.memory_space<hbm>> -> memref<64x64xf32, #tpu.memory_space<hbm>>
        %dma_wait3A_322 = arith.constant 0 : i32
        %dma_wait3A_323 = arith.constant 0 : i32
        %dma_wait3A_324 = tpu.memref_slice %arg8[%dma_wait3A_308, %dma_wait3A_322, %dma_wait3A_323] : memref<4x64x64xf32, #tpu.memory_space<vmem>> -> memref<1x64x64xf32, #tpu.memory_space<vmem>>
        %dma_wait3A_325 = tpu.memref_squeeze %dma_wait3A_324 : memref<1x64x64xf32, #tpu.memory_space<vmem>> -> memref<64x64xf32, #tpu.memory_space<vmem>>
        tpu.wait_dma2 semaphore(%dma_wait3A_318 : memref<!tpu.dma_semaphore, #tpu.memory_space<semaphore_mem>>) src(%dma_wait3A_325 : memref<64x64xf32, #tpu.memory_space<vmem>>) dst(%dma_wait3A_321 : memref<64x64xf32, #tpu.memory_space<hbm>>)
      } else {
      }
      %add3A_240 = arith.constant 2 : i32
      %add3A_241 = arith.addi %add3A_189, %add3A_240 : i32
      %lt3A_242 = arith.constant 400 : i32
      %lt3A_243 = arith.cmpi slt, %add3A_241, %lt3A_242 : i32
      %convert_element_type3A_244 = arith.extui %lt3A_243 : i1 to i32
      %cond3A_245 = arith.constant 0 : i32
      %cond3A_246 = arith.cmpi ne, %convert_element_type3A_244, %cond3A_245 : i32
      scf.if %cond3A_246 {
        %add3A_308 = arith.constant 2 : i32
        %add3A_309 = arith.addi %add3A_189, %add3A_308 : i32
        %mul3A_310 = arith.constant 64 : i32
        %mul3A_311 = arith.muli %add3A_309, %mul3A_310 : i32
        %dma_start3A_312 = arith.constant 0 : i32
        %dma_start3A_313 = arith.constant 0 : i32
        %dma_start3A_314 = arith.constant 0 : i32
        %dma_start3A_315 = arith.constant 0 : i32
        %dma_start3A_316 = tpu.memref_slice %arg7[%dma_start3A_312, %dma_start3A_314, %dma_start3A_315] : memref<4x64x128xf32, #tpu.memory_space<vmem>> -> memref<1x64x128xf32, #tpu.memory_space<vmem>>
        %dma_start3A_317 = tpu.memref_squeeze %dma_start3A_316 : memref<1x64x128xf32, #tpu.memory_space<vmem>> -> memref<64x128xf32, #tpu.memory_space<vmem>>
        %dma_start3A_318 = tpu.memref_slice %arg6[%mul3A_311] : memref<25600xi32, #tpu.memory_space<vmem>> -> memref<64xi32, #tpu.memory_space<vmem>>
        %dma_start3A_319 = arith.constant 0 : i32
        %dma_start3A_320 = arith.constant 0 : i32
        %dma_start3A_321 = tpu.memref_slice %arg3[%dma_start3A_319, %dma_start3A_320] : memref<100000x128xf32, #tpu.memory_space<hbm>> -> memref<100000x128xf32, #tpu.memory_space<hbm>>
        %dma_start3A_322 = tpu.memref_slice %arg10[%dma_start3A_313] : memref<4x!tpu.dma_semaphore, #tpu.memory_space<semaphore_mem>> -> memref<1x!tpu.dma_semaphore, #tpu.memory_space<semaphore_mem>>
        %dma_start3A_323 = tpu.memref_squeeze %dma_start3A_322 : memref<1x!tpu.dma_semaphore, #tpu.memory_space<semaphore_mem>> -> memref<!tpu.dma_semaphore, #tpu.memory_space<semaphore_mem>>
        tpu.enqueue_indirect_dma source(%dma_start3A_321 : memref<100000x128xf32, #tpu.memory_space<hbm>>) target(%dma_start3A_317 : memref<64x128xf32, #tpu.memory_space<vmem>>) offsets(%dma_start3A_318 : memref<64xi32, #tpu.memory_space<vmem>>) semaphore(%dma_start3A_323 : memref<!tpu.dma_semaphore, #tpu.memory_space<semaphore_mem>>)
      } else {
      }
      %mul3A_247 = arith.constant 4 : i32
      %mul3A_248 = arith.muli %scan3A_68, %mul3A_247 : i32
      %add3A_249 = arith.constant 3 : i32
      %add3A_250 = arith.addi %mul3A_248, %add3A_249 : i32
      %mul3A_251 = arith.constant 64 : i32
      %mul3A_252 = arith.muli %add3A_250, %mul3A_251 : i32
      %dma_wait3A_253 = arith.constant 3 : i32
      %dma_wait3A_254 = arith.constant 3 : i32
      %dma_wait3A_255 = arith.constant 0 : i32
      %dma_wait3A_256 = arith.constant 0 : i32
      %dma_wait3A_257 = tpu.memref_slice %arg7[%dma_wait3A_253, %dma_wait3A_255, %dma_wait3A_256] : memref<4x64x128xf32, #tpu.memory_space<vmem>> -> memref<1x64x128xf32, #tpu.memory_space<vmem>>
      %dma_wait3A_258 = tpu.memref_squeeze %dma_wait3A_257 : memref<1x64x128xf32, #tpu.memory_space<vmem>> -> memref<64x128xf32, #tpu.memory_space<vmem>>
      %dma_wait3A_259 = tpu.memref_slice %arg6[%mul3A_252] : memref<25600xi32, #tpu.memory_space<vmem>> -> memref<64xi32, #tpu.memory_space<vmem>>
      %dma_wait3A_260 = arith.constant 0 : i32
      %dma_wait3A_261 = arith.constant 0 : i32
      %dma_wait3A_262 = tpu.memref_slice %arg3[%dma_wait3A_260, %dma_wait3A_261] : memref<100000x128xf32, #tpu.memory_space<hbm>> -> memref<100000x128xf32, #tpu.memory_space<hbm>>
      %dma_wait3A_263 = tpu.memref_slice %arg10[%dma_wait3A_254] : memref<4x!tpu.dma_semaphore, #tpu.memory_space<semaphore_mem>> -> memref<1x!tpu.dma_semaphore, #tpu.memory_space<semaphore_mem>>
      %dma_wait3A_264 = tpu.memref_squeeze %dma_wait3A_263 : memref<1x!tpu.dma_semaphore, #tpu.memory_space<semaphore_mem>> -> memref<!tpu.dma_semaphore, #tpu.memory_space<semaphore_mem>>
      tpu.wait_indirect_dma semaphore(%dma_wait3A_264 : memref<!tpu.dma_semaphore, #tpu.memory_space<semaphore_mem>>) src(%dma_wait3A_262 : memref<100000x128xf32, #tpu.memory_space<hbm>>) dst(%dma_wait3A_258 : memref<64x128xf32, #tpu.memory_space<vmem>>)
      %mul3A_265 = arith.constant 64 : i32
      %mul3A_266 = arith.muli %add3A_250, %mul3A_265 : i32
      %rem3A_267 = arith.constant 200 : i32
      %rem3A_268 = arith.remsi %mul3A_266, %rem3A_267 : i32
      %scan3A_269 = arith.constant 0 : i32
      %scan3A_270 = arith.constant 0 : i32
      %scan3A_271 = arith.constant 64 : i32
      %scan3A_272 = arith.addi %scan3A_270, %scan3A_271 : i32
      %scan3A_273 = arith.constant 1 : i32
      scf.for %scan3A_308 = %scan3A_270 to %scan3A_272 step %scan3A_273  : i32 {
        %add3A_309 = arith.addi %rem3A_268, %scan3A_308 : i32
        %ge3A_310 = arith.constant 200 : i32
        %ge3A_311 = arith.cmpi sge, %add3A_309, %ge3A_310 : i32
        %sub3A = arith.constant 200 : i32
        %sub3A_312 = arith.subi %add3A_309, %sub3A : i32
        %select_n3A = arith.select %ge3A_311, %sub3A_312, %add3A_309 : i32
        %get3A = arith.constant 3 : i32
        %get3A_313 = arith.index_cast %get3A : i32 to index
        %get3A_314 = arith.index_cast %scan3A_308 : i32 to index
        %get3A_315 = arith.constant 0 : index
        %get3A_316 = tpu.vector_load %arg7[%get3A_313, %get3A_314, %get3A_315] {strides = array<i32>} : memref<4x64x128xf32, #tpu.memory_space<vmem>>, vector<1x1x16xf32>,
        %get3A_317 = vector.shape_cast %get3A_316 : vector<1x1x16xf32> to vector<16xf32>
        %get3A_318 = arith.index_cast %select_n3A : i32 to index
        %get3A_319 = arith.constant 0 : index
        %get3A_320 = tpu.vector_load %arg9[%get3A_318, %get3A_319] {strides = array<i32>} : memref<200x64xf32, #tpu.memory_space<vmem>>, vector<1x16xf32>,
        %get3A_321 = vector.shape_cast %get3A_320 : vector<1x16xf32> to vector<16xf32>
        %add3A_322 = arith.addf %get3A_317, %get3A_321 : vector<16xf32>
        %swap3A = arith.constant 3 : i32
        %swap3A_323 = arith.index_cast %swap3A : i32 to index
        %swap3A_324 = arith.index_cast %scan3A_308 : i32 to index
        %swap3A_325 = arith.constant 0 : index
        %swap3A_326 = tpu.vector_load %arg8[%swap3A_323, %swap3A_324, %swap3A_325] {strides = array<i32>} : memref<4x64x64xf32, #tpu.memory_space<vmem>>, vector<1x1x16xf32>,
        %swap3A_327 = vector.shape_cast %swap3A_326 : vector<1x1x16xf32> to vector<16xf32>
        %swap3A_328 = vector.shape_cast %add3A_322 : vector<16xf32> to vector<1x1x16xf32>
        tpu.vector_store %arg8[%swap3A_323, %swap3A_324, %swap3A_325], %swap3A_328 {strides = array<i32>} : memref<4x64x64xf32, #tpu.memory_space<vmem>>, vector<1x1x16xf32>,
        %get3A_329 = arith.constant 3 : i32
        %get3A_330 = arith.index_cast %get3A_329 : i32 to index
        %get3A_331 = arith.index_cast %scan3A_308 : i32 to index
        %get3A_332 = arith.constant 16 : index
        %get3A_333 = tpu.vector_load %arg7[%get3A_330, %get3A_331, %get3A_332] {strides = array<i32>} : memref<4x64x128xf32, #tpu.memory_space<vmem>>, vector<1x1x16xf32>,
        %get3A_334 = vector.shape_cast %get3A_333 : vector<1x1x16xf32> to vector<16xf32>
        %get3A_335 = arith.index_cast %select_n3A : i32 to index
        %get3A_336 = arith.constant 16 : index
        %get3A_337 = tpu.vector_load %arg9[%get3A_335, %get3A_336] {strides = array<i32>} : memref<200x64xf32, #tpu.memory_space<vmem>>, vector<1x16xf32>,
        %get3A_338 = vector.shape_cast %get3A_337 : vector<1x16xf32> to vector<16xf32>
        %add3A_339 = arith.addf %get3A_334, %get3A_338 : vector<16xf32>
        %swap3A_340 = arith.constant 3 : i32
        %swap3A_341 = arith.index_cast %swap3A_340 : i32 to index
        %swap3A_342 = arith.index_cast %scan3A_308 : i32 to index
        %swap3A_343 = arith.constant 16 : index
        %swap3A_344 = tpu.vector_load %arg8[%swap3A_341, %swap3A_342, %swap3A_343] {strides = array<i32>} : memref<4x64x64xf32, #tpu.memory_space<vmem>>, vector<1x1x16xf32>,
        %swap3A_345 = vector.shape_cast %swap3A_344 : vector<1x1x16xf32> to vector<16xf32>
        %swap3A_346 = vector.shape_cast %add3A_339 : vector<16xf32> to vector<1x1x16xf32>
        tpu.vector_store %arg8[%swap3A_341, %swap3A_342, %swap3A_343], %swap3A_346 {strides = array<i32>} : memref<4x64x64xf32, #tpu.memory_space<vmem>>, vector<1x1x16xf32>,
        %get3A_347 = arith.constant 3 : i32
        %get3A_348 = arith.index_cast %get3A_347 : i32 to index
        %get3A_349 = arith.index_cast %scan3A_308 : i32 to index
        %get3A_350 = arith.constant 32 : index
        %get3A_351 = tpu.vector_load %arg7[%get3A_348, %get3A_349, %get3A_350] {strides = array<i32>} : memref<4x64x128xf32, #tpu.memory_space<vmem>>, vector<1x1x16xf32>,
        %get3A_352 = vector.shape_cast %get3A_351 : vector<1x1x16xf32> to vector<16xf32>
        %get3A_353 = arith.index_cast %select_n3A : i32 to index
        %get3A_354 = arith.constant 32 : index
        %get3A_355 = tpu.vector_load %arg9[%get3A_353, %get3A_354] {strides = array<i32>} : memref<200x64xf32, #tpu.memory_space<vmem>>, vector<1x16xf32>,
        %get3A_356 = vector.shape_cast %get3A_355 : vector<1x16xf32> to vector<16xf32>
        %add3A_357 = arith.addf %get3A_352, %get3A_356 : vector<16xf32>
        %swap3A_358 = arith.constant 3 : i32
        %swap3A_359 = arith.index_cast %swap3A_358 : i32 to index
        %swap3A_360 = arith.index_cast %scan3A_308 : i32 to index
        %swap3A_361 = arith.constant 32 : index
        %swap3A_362 = tpu.vector_load %arg8[%swap3A_359, %swap3A_360, %swap3A_361] {strides = array<i32>} : memref<4x64x64xf32, #tpu.memory_space<vmem>>, vector<1x1x16xf32>,
        %swap3A_363 = vector.shape_cast %swap3A_362 : vector<1x1x16xf32> to vector<16xf32>
        %swap3A_364 = vector.shape_cast %add3A_357 : vector<16xf32> to vector<1x1x16xf32>
        tpu.vector_store %arg8[%swap3A_359, %swap3A_360, %swap3A_361], %swap3A_364 {strides = array<i32>} : memref<4x64x64xf32, #tpu.memory_space<vmem>>, vector<1x1x16xf32>,
        %get3A_365 = arith.constant 3 : i32
        %get3A_366 = arith.index_cast %get3A_365 : i32 to index
        %get3A_367 = arith.index_cast %scan3A_308 : i32 to index
        %get3A_368 = arith.constant 48 : index
        %get3A_369 = tpu.vector_load %arg7[%get3A_366, %get3A_367, %get3A_368] {strides = array<i32>} : memref<4x64x128xf32, #tpu.memory_space<vmem>>, vector<1x1x16xf32>,
        %get3A_370 = vector.shape_cast %get3A_369 : vector<1x1x16xf32> to vector<16xf32>
        %get3A_371 = arith.index_cast %select_n3A : i32 to index
        %get3A_372 = arith.constant 48 : index
        %get3A_373 = tpu.vector_load %arg9[%get3A_371, %get3A_372] {strides = array<i32>} : memref<200x64xf32, #tpu.memory_space<vmem>>, vector<1x16xf32>,
        %get3A_374 = vector.shape_cast %get3A_373 : vector<1x16xf32> to vector<16xf32>
        %add3A_375 = arith.addf %get3A_370, %get3A_374 : vector<16xf32>
        %swap3A_376 = arith.constant 3 : i32
        %swap3A_377 = arith.index_cast %swap3A_376 : i32 to index
        %swap3A_378 = arith.index_cast %scan3A_308 : i32 to index
        %swap3A_379 = arith.constant 48 : index
        %swap3A_380 = tpu.vector_load %arg8[%swap3A_377, %swap3A_378, %swap3A_379] {strides = array<i32>} : memref<4x64x64xf32, #tpu.memory_space<vmem>>, vector<1x1x16xf32>,
        %swap3A_381 = vector.shape_cast %swap3A_380 : vector<1x1x16xf32> to vector<16xf32>
        %swap3A_382 = vector.shape_cast %add3A_375 : vector<16xf32> to vector<1x1x16xf32>
        tpu.vector_store %arg8[%swap3A_377, %swap3A_378, %swap3A_379], %swap3A_382 {strides = array<i32>} : memref<4x64x64xf32, #tpu.memory_space<vmem>>, vector<1x1x16xf32>,
      }
      %scan3A_274 = arith.constant 64 : i32
      %mul3A_275 = arith.constant 64 : i32
      %mul3A_276 = arith.muli %add3A_250, %mul3A_275 : i32
      %add3A_277 = arith.addi %mul3A_2, %mul3A_276 : i32
      %dma_start3A_278 = arith.constant 3 : i32
      %dma_start3A_279 = arith.constant 3 : i32
      %dma_start3A_280 = arith.constant 0 : i32
      %dma_start3A_281 = arith.constant 0 : i32
      %dma_start3A_282 = tpu.memref_slice %arg8[%dma_start3A_278, %dma_start3A_280, %dma_start3A_281] : memref<4x64x64xf32, #tpu.memory_space<vmem>> -> memref<1x64x64xf32, #tpu.memory_space<vmem>>
      %dma_start3A_283 = tpu.memref_squeeze %dma_start3A_282 : memref<1x64x64xf32, #tpu.memory_space<vmem>> -> memref<64x64xf32, #tpu.memory_space<vmem>>
      %dma_start3A_284 = arith.constant 0 : i32
      %dma_start3A_285 = tpu.memref_slice %arg5[%add3A_277, %dma_start3A_284] : memref<819200x64xf32, #tpu.memory_space<hbm>> -> memref<64x64xf32, #tpu.memory_space<hbm>>
      %dma_start3A_286 = tpu.memref_slice %arg11[%dma_start3A_279] : memref<4x!tpu.dma_semaphore, #tpu.memory_space<semaphore_mem>> -> memref<1x!tpu.dma_semaphore, #tpu.memory_space<semaphore_mem>>
      %dma_start3A_287 = tpu.memref_squeeze %dma_start3A_286 : memref<1x!tpu.dma_semaphore, #tpu.memory_space<semaphore_mem>> -> memref<!tpu.dma_semaphore, #tpu.memory_space<semaphore_mem>>
      %dma_start3A_288 = arith.constant 0 : i32
      %dma_start3A_289 = tpu.memref_slice %arg5[%add3A_277, %dma_start3A_288] : memref<819200x64xf32, #tpu.memory_space<hbm>> -> memref<64x64xf32, #tpu.memory_space<hbm>>
      %dma_start3A_290 = arith.constant 0 : i32
      %dma_start3A_291 = arith.constant 0 : i32
      %dma_start3A_292 = tpu.memref_slice %arg8[%dma_start3A_278, %dma_start3A_290, %dma_start3A_291] : memref<4x64x64xf32, #tpu.memory_space<vmem>> -> memref<1x64x64xf32, #tpu.memory_space<vmem>>
      %dma_start3A_293 = tpu.memref_squeeze %dma_start3A_292 : memref<1x64x64xf32, #tpu.memory_space<vmem>> -> memref<64x64xf32, #tpu.memory_space<vmem>>
      tpu.enqueue_dma source(%dma_start3A_293 : memref<64x64xf32, #tpu.memory_space<vmem>>) target(%dma_start3A_289 : memref<64x64xf32, #tpu.memory_space<hbm>>) target_semaphore(%dma_start3A_287 : memref<!tpu.dma_semaphore, #tpu.memory_space<semaphore_mem>>)
      %add3A_294 = arith.constant 2 : i32
      %add3A_295 = arith.addi %add3A_250, %add3A_294 : i32
      %ge3A_296 = arith.constant 4 : i32
      %ge3A_297 = arith.cmpi sge, %add3A_295, %ge3A_296 : i32
      %convert_element_type3A_298 = arith.extui %ge3A_297 : i1 to i32
      %cond3A_299 = arith.constant 0 : i32
      %cond3A_300 = arith.cmpi ne, %convert_element_type3A_298, %cond3A_299 : i32
      scf.if %cond3A_300 {
        %dma_wait3A_308 = arith.constant 1 : i32
        %dma_wait3A_309 = arith.constant 1 : i32
        %dma_wait3A_310 = arith.constant 0 : i32
        %dma_wait3A_311 = arith.constant 0 : i32
        %dma_wait3A_312 = tpu.memref_slice %arg8[%dma_wait3A_308, %dma_wait3A_310, %dma_wait3A_311] : memref<4x64x64xf32, #tpu.memory_space<vmem>> -> memref<1x64x64xf32, #tpu.memory_space<vmem>>
        %dma_wait3A_313 = tpu.memref_squeeze %dma_wait3A_312 : memref<1x64x64xf32, #tpu.memory_space<vmem>> -> memref<64x64xf32, #tpu.memory_space<vmem>>
        %dma_wait3A_314 = arith.constant 0 : i32
        %dma_wait3A_315 = arith.constant 0 : i32
        %dma_wait3A_316 = tpu.memref_slice %arg5[%dma_wait3A_314, %dma_wait3A_315] : memref<819200x64xf32, #tpu.memory_space<hbm>> -> memref<64x64xf32, #tpu.memory_space<hbm>>
        %dma_wait3A_317 = tpu.memref_slice %arg11[%dma_wait3A_309] : memref<4x!tpu.dma_semaphore, #tpu.memory_space<semaphore_mem>> -> memref<1x!tpu.dma_semaphore, #tpu.memory_space<semaphore_mem>>
        %dma_wait3A_318 = tpu.memref_squeeze %dma_wait3A_317 : memref<1x!tpu.dma_semaphore, #tpu.memory_space<semaphore_mem>> -> memref<!tpu.dma_semaphore, #tpu.memory_space<semaphore_mem>>
        %dma_wait3A_319 = arith.constant 0 : i32
        %dma_wait3A_320 = arith.constant 0 : i32
        %dma_wait3A_321 = tpu.memref_slice %arg5[%dma_wait3A_319, %dma_wait3A_320] : memref<819200x64xf32, #tpu.memory_space<hbm>> -> memref<64x64xf32, #tpu.memory_space<hbm>>
        %dma_wait3A_322 = arith.constant 0 : i32
        %dma_wait3A_323 = arith.constant 0 : i32
        %dma_wait3A_324 = tpu.memref_slice %arg8[%dma_wait3A_308, %dma_wait3A_322, %dma_wait3A_323] : memref<4x64x64xf32, #tpu.memory_space<vmem>> -> memref<1x64x64xf32, #tpu.memory_space<vmem>>
        %dma_wait3A_325 = tpu.memref_squeeze %dma_wait3A_324 : memref<1x64x64xf32, #tpu.memory_space<vmem>> -> memref<64x64xf32, #tpu.memory_space<vmem>>
        tpu.wait_dma2 semaphore(%dma_wait3A_318 : memref<!tpu.dma_semaphore, #tpu.memory_space<semaphore_mem>>) src(%dma_wait3A_325 : memref<64x64xf32, #tpu.memory_space<vmem>>) dst(%dma_wait3A_321 : memref<64x64xf32, #tpu.memory_space<hbm>>)
      } else {
      }
      %add3A_301 = arith.constant 2 : i32
      %add3A_302 = arith.addi %add3A_250, %add3A_301 : i32
      %lt3A_303 = arith.constant 400 : i32
      %lt3A_304 = arith.cmpi slt, %add3A_302, %lt3A_303 : i32
      %convert_element_type3A_305 = arith.extui %lt3A_304 : i1 to i32
      %cond3A_306 = arith.constant 0 : i32
      %cond3A_307 = arith.cmpi ne, %convert_element_type3A_305, %cond3A_306 : i32
      scf.if %cond3A_307 {
        %add3A_308 = arith.constant 2 : i32
        %add3A_309 = arith.addi %add3A_250, %add3A_308 : i32
        %mul3A_310 = arith.constant 64 : i32
        %mul3A_311 = arith.muli %add3A_309, %mul3A_310 : i32
        %dma_start3A_312 = arith.constant 1 : i32
        %dma_start3A_313 = arith.constant 1 : i32
        %dma_start3A_314 = arith.constant 0 : i32
        %dma_start3A_315 = arith.constant 0 : i32
        %dma_start3A_316 = tpu.memref_slice %arg7[%dma_start3A_312, %dma_start3A_314, %dma_start3A_315] : memref<4x64x128xf32, #tpu.memory_space<vmem>> -> memref<1x64x128xf32, #tpu.memory_space<vmem>>
        %dma_start3A_317 = tpu.memref_squeeze %dma_start3A_316 : memref<1x64x128xf32, #tpu.memory_space<vmem>> -> memref<64x128xf32, #tpu.memory_space<vmem>>
        %dma_start3A_318 = tpu.memref_slice %arg6[%mul3A_311] : memref<25600xi32, #tpu.memory_space<vmem>> -> memref<64xi32, #tpu.memory_space<vmem>>
        %dma_start3A_319 = arith.constant 0 : i32
        %dma_start3A_320 = arith.constant 0 : i32
        %dma_start3A_321 = tpu.memref_slice %arg3[%dma_start3A_319, %dma_start3A_320] : memref<100000x128xf32, #tpu.memory_space<hbm>> -> memref<100000x128xf32, #tpu.memory_space<hbm>>
        %dma_start3A_322 = tpu.memref_slice %arg10[%dma_start3A_313] : memref<4x!tpu.dma_semaphore, #tpu.memory_space<semaphore_mem>> -> memref<1x!tpu.dma_semaphore, #tpu.memory_space<semaphore_mem>>
        %dma_start3A_323 = tpu.memref_squeeze %dma_start3A_322 : memref<1x!tpu.dma_semaphore, #tpu.memory_space<semaphore_mem>> -> memref<!tpu.dma_semaphore, #tpu.memory_space<semaphore_mem>>
        tpu.enqueue_indirect_dma source(%dma_start3A_321 : memref<100000x128xf32, #tpu.memory_space<hbm>>) target(%dma_start3A_317 : memref<64x128xf32, #tpu.memory_space<vmem>>) offsets(%dma_start3A_318 : memref<64xi32, #tpu.memory_space<vmem>>) semaphore(%dma_start3A_323 : memref<!tpu.dma_semaphore, #tpu.memory_space<semaphore_mem>>)
      } else {
      }
    }
    %scan3A_32 = arith.constant 100 : i32
    %dma_wait3A = arith.constant 2 : i32
    %dma_wait3A_33 = arith.constant 2 : i32
    %dma_wait3A_34 = arith.constant 0 : i32
    %dma_wait3A_35 = arith.constant 0 : i32
    %dma_wait3A_36 = tpu.memref_slice %arg8[%dma_wait3A, %dma_wait3A_34, %dma_wait3A_35] : memref<4x64x64xf32, #tpu.memory_space<vmem>> -> memref<1x64x64xf32, #tpu.memory_space<vmem>>
    %dma_wait3A_37 = tpu.memref_squeeze %dma_wait3A_36 : memref<1x64x64xf32, #tpu.memory_space<vmem>> -> memref<64x64xf32, #tpu.memory_space<vmem>>
    %dma_wait3A_38 = arith.constant 0 : i32
    %dma_wait3A_39 = arith.constant 0 : i32
    %dma_wait3A_40 = tpu.memref_slice %arg5[%dma_wait3A_38, %dma_wait3A_39] : memref<819200x64xf32, #tpu.memory_space<hbm>> -> memref<64x64xf32, #tpu.memory_space<hbm>>
    %dma_wait3A_41 = tpu.memref_slice %arg11[%dma_wait3A_33] : memref<4x!tpu.dma_semaphore, #tpu.memory_space<semaphore_mem>> -> memref<1x!tpu.dma_semaphore, #tpu.memory_space<semaphore_mem>>
    %dma_wait3A_42 = tpu.memref_squeeze %dma_wait3A_41 : memref<1x!tpu.dma_semaphore, #tpu.memory_space<semaphore_mem>> -> memref<!tpu.dma_semaphore, #tpu.memory_space<semaphore_mem>>
    %dma_wait3A_43 = arith.constant 0 : i32
    %dma_wait3A_44 = arith.constant 0 : i32
    %dma_wait3A_45 = tpu.memref_slice %arg5[%dma_wait3A_43, %dma_wait3A_44] : memref<819200x64xf32, #tpu.memory_space<hbm>> -> memref<64x64xf32, #tpu.memory_space<hbm>>
    %dma_wait3A_46 = arith.constant 0 : i32
    %dma_wait3A_47 = arith.constant 0 : i32
    %dma_wait3A_48 = tpu.memref_slice %arg8[%dma_wait3A, %dma_wait3A_46, %dma_wait3A_47] : memref<4x64x64xf32, #tpu.memory_space<vmem>> -> memref<1x64x64xf32, #tpu.memory_space<vmem>>
    %dma_wait3A_49 = tpu.memref_squeeze %dma_wait3A_48 : memref<1x64x64xf32, #tpu.memory_space<vmem>> -> memref<64x64xf32, #tpu.memory_space<vmem>>
    tpu.wait_dma2 semaphore(%dma_wait3A_42 : memref<!tpu.dma_semaphore, #tpu.memory_space<semaphore_mem>>) src(%dma_wait3A_49 : memref<64x64xf32, #tpu.memory_space<vmem>>) dst(%dma_wait3A_45 : memref<64x64xf32, #tpu.memory_space<hbm>>)
    %dma_wait3A_50 = arith.constant 3 : i32
    %dma_wait3A_51 = arith.constant 3 : i32
    %dma_wait3A_52 = arith.constant 0 : i32
    %dma_wait3A_53 = arith.constant 0 : i32
    %dma_wait3A_54 = tpu.memref_slice %arg8[%dma_wait3A_50, %dma_wait3A_52, %dma_wait3A_53] : memref<4x64x64xf32, #tpu.memory_space<vmem>> -> memref<1x64x64xf32, #tpu.memory_space<vmem>>
    %dma_wait3A_55 = tpu.memref_squeeze %dma_wait3A_54 : memref<1x64x64xf32, #tpu.memory_space<vmem>> -> memref<64x64xf32, #tpu.memory_space<vmem>>
    %dma_wait3A_56 = arith.constant 0 : i32
    %dma_wait3A_57 = arith.constant 0 : i32
    %dma_wait3A_58 = tpu.memref_slice %arg5[%dma_wait3A_56, %dma_wait3A_57] : memref<819200x64xf32, #tpu.memory_space<hbm>> -> memref<64x64xf32, #tpu.memory_space<hbm>>
    %dma_wait3A_59 = tpu.memref_slice %arg11[%dma_wait3A_51] : memref<4x!tpu.dma_semaphore, #tpu.memory_space<semaphore_mem>> -> memref<1x!tpu.dma_semaphore, #tpu.memory_space<semaphore_mem>>
    %dma_wait3A_60 = tpu.memref_squeeze %dma_wait3A_59 : memref<1x!tpu.dma_semaphore, #tpu.memory_space<semaphore_mem>> -> memref<!tpu.dma_semaphore, #tpu.memory_space<semaphore_mem>>
    %dma_wait3A_61 = arith.constant 0 : i32
    %dma_wait3A_62 = arith.constant 0 : i32
    %dma_wait3A_63 = tpu.memref_slice %arg5[%dma_wait3A_61, %dma_wait3A_62] : memref<819200x64xf32, #tpu.memory_space<hbm>> -> memref<64x64xf32, #tpu.memory_space<hbm>>
    %dma_wait3A_64 = arith.constant 0 : i32
    %dma_wait3A_65 = arith.constant 0 : i32
    %dma_wait3A_66 = tpu.memref_slice %arg8[%dma_wait3A_50, %dma_wait3A_64, %dma_wait3A_65] : memref<4x64x64xf32, #tpu.memory_space<vmem>> -> memref<1x64x64xf32, #tpu.memory_space<vmem>>
    %dma_wait3A_67 = tpu.memref_squeeze %dma_wait3A_66 : memref<1x64x64xf32, #tpu.memory_space<vmem>> -> memref<64x64xf32, #tpu.memory_space<vmem>>
    tpu.wait_dma2 semaphore(%dma_wait3A_60 : memref<!tpu.dma_semaphore, #tpu.memory_space<semaphore_mem>>) src(%dma_wait3A_67 : memref<64x64xf32, #tpu.memory_space<vmem>>) dst(%dma_wait3A_63 : memref<64x64xf32, #tpu.memory_space<hbm>>)
    return
  }
}

</mosaic_0001>

<sc_bundles>
// kernel: _emb.3.cloned.1.call-start
scs
__scs_entry_jumppad:
0x0: {  	(pc) =	sbr.rel $0x88, $3  }
0x1: {  	(tag) =	ssettag $0x0;
	lr =	simm.s32 $0x1  }
0x2: {  	[smem:$0x3F9E] =	sst lr;
	_ =	strace $0xD0000000  }
0x3: {  	_ = 	snop  }
0x4: {  	_ = 	snop  }
0x5: {  	_ = 	snop  }
0x6: {  	_ = 	snop  }
0x7: {  	_ = 	snop  }
__scs_overlays_trampoline_lowered:
0x8: {  	[smem:$0x3FAD] =	sst s0  }
0x9: {  	[smem:$0x3FAE] =	sst s1  }
0xa: {  	[smem:$0x3FAF] =	sst s2  }
0xb: {  	[smem:$0x3FB0] =	sst s3  }
0xc: {  	[smem:$0x3FB1] =	sst s4  }
0xd: {  	[smem:$0x3FB2] =	sst s5  }
0xe: {  	[smem:$0x3FB3] =	sst s6  }
0xf: {  	[smem:$0x3FB4] =	sst s7  }
0x10: {  	[smem:$0x3FB5] =	sst s8  }
0x11: {  	[smem:$0x3FB6] =	sst s9;
	s0 =	simm.s32 @!p0 $0x0  }
0x12: {  	s1 =	sld [smem:$0x3F9C];
	s0 =	simm.s32 @p0 $0x1  }
0x13: {  	[smem:$0x3FB7] =	sst s0;
	s0 =	simm.s32 @!p1 $0x0  }
0x14: {  	s2 =	sld [smem:$0x3F9B];
	s0 =	simm.s32 @p1 $0x1  }
0x15: {  	[smem:$0x3FB8] =	sst s0;
	s0 =	simm.s32 @!p2 $0x0  }
0x16: {  	s3 =	sld [smem:$0x3FDB];
	s0 =	simm.s32 @p2 $0x1  }
0x17: {  	s4 =	simm.s32 $0x1BF5;
	[smem:$0x3FBA] =	sst s0  }
0x18: {  	s0 =	sld [smem:$0x3F9D];
	_ =	swait.ge [sflag:s4], $0x0  }
0x19: {  	s7 =	sld [smem:$0x3F9E]  }
0x1a: {  	s8 =	sadd.s32 $0xFFFFE003, lr  }
0x1b: {  	s9 =	sadd.s32 $0xFFFFFEF7, lr;
	s5 =	simm.s32 $0xFFFFFFFF;
	p2 =	slt.u32 s8, $0xFFFFF086  }
0x1c: {  	p1 =	slt.u32 s9, $0xF7A;
	s5 =	simm.s32 @!p2 $0x0  }
0x1d: {  	s5 =	simm.s32 @p1 $0x1;
	p0 =	seq.s32 s7, s2  }
0x1e: {  	s7 =	smul.u32 @!p0 $0xF7A, s2;
	p2 =	seq.s32 @!p0 s5, $0x0  }
0x1f: {  	s9 =	smul.u32 $0xF7A, s1;
	s8 =	simm.s32 @!p0 $0x1BF5;
	p2 =	por !p2, p0  }
0x20: {  	[sflag:s8] =	ssyncset.s32 @!p0 $0xFFFFF086;
	s6 =	sadd.s32 @!p0 s3, s7;
	s7 =	simm.s32 @!p0 $0x108  }
0x21: {  	s3 =	sadd.s32 s3, s9;
	s6 =	sadd.s32 @!p0 $0x88, s6;
	s7 =	simm.s32 @p2 $0x1082  }
0x22: {  	[simem:s7], [sflag:s8] =	dma.local @!p0 [hbm:s6], $0xF7A  }
0x23: {  	s9 =	sor.u32 $0xD0000000, s2;
	s6 =	simm.s32 $0x108;
	_ =	swait.ge @!p0 [sflag:s8], $0x0  }
0x24: {  	s3 =	sadd.s32 $0x88, s3;
	s6 =	simm.s32 @!p1 $0x1082;
	[sflag:s4] =	ssyncset.s32 $0xFFFFF086  }
0x25: {  	[simem:s6], [sflag:s4] =	dma.local [hbm:s3], $0xF7A  }
0x26: {  	[smem:$0x3F9E] =	sst s1;
	(tag) =	ssettag s2;
	_ =	strace s9  }
0x27: {  	s1 =	sld [smem:$0x3FAE]  }
0x28: {  	s2 =	sld [smem:$0x3FAF]  }
0x29: {  	s4 =	sld [smem:$0x3FB1]  }
0x2a: {  	p0 =	seq.s32 s5, $0x0;
	s5 =	sld [smem:$0x3FB2]  }
0x2b: {  	s6 =	sld [smem:$0x3FB3]  }
0x2c: {  	s7 =	sld [smem:$0x3FB4]  }
0x2d: {  	s3 =	simm.s32 $0x108;
	s8 =	sld [smem:$0x3FB5]  }
0x2e: {  	s3 =	simm.s32 @!p0 $0x1082;
	s9 =	sld [smem:$0x3FB6]  }
0x2f: {  	lr =	sadd.s32 s0, s3;
	s0 =	sld [smem:$0x3FAD]  }
0x30: {  	s3 =	sld [smem:$0x3FB0]  }
0x31: {  	[smem:$0x3FB9] =	sst s10  }
0x32: {  	s10 =	sld [smem:$0x3FB7];
	_ =	sdelay $0x3  }
0x33: {  	p0 =	seq.s32 s10, $0x1;
	s10 =	sld [smem:$0x3FB9];
	_ =	sdelay $0x3  }
0x34: {  	[smem:$0x3FB9] =	sst s10  }
0x35: {  	s10 =	sld [smem:$0x3FB8];
	_ =	sdelay $0x3  }
0x36: {  	p1 =	seq.s32 s10, $0x1;
	s10 =	sld [smem:$0x3FB9];
	_ =	sdelay $0x3  }
0x37: {  	[smem:$0x3FB9] =	sst s10  }
0x38: {  	s10 =	sld [smem:$0x3FBA]  }
0x39: {  	_ = 	snop;
	(pc) =	sbr.ind lr, $3  }
0x3a: {  	_ = 	snop  }
0x3b: {  	_ = 	snop  }
0x3c: {  	p2 =	seq.s32 s10, $0x1;
	s10 =	sld [smem:$0x3FB9]  }
0x3d: {  	_ =	shalt  }
0x3e: {  	_ =	shalt  }
0x3f: {  	_ =	shalt  }
0x40: {  	_ =	shalt  }
0x41: {  	_ =	shalt  }
0x42: {  	_ =	shalt  }
0x43: {  	_ =	shalt  }
0x44: {  	_ =	shalt  }
0x45: {  	_ =	shalt  }
0x46: {  	_ =	shalt  }
0x47: {  	_ =	shalt  }
0x48: {  	_ =	shalt  }
0x49: {  	_ =	shalt  }
0x4a: {  	_ =	shalt  }
0x4b: {  	_ =	shalt  }
0x4c: {  	_ =	shalt  }
0x4d: {  	_ =	shalt  }
0x4e: {  	_ =	shalt  }
0x4f: {  	_ =	shalt  }
0x50: {  	_ =	shalt  }
0x51: {  	_ =	shalt  }
0x52: {  	_ =	shalt  }
0x53: {  	_ =	shalt  }
0x54: {  	_ =	shalt  }
0x55: {  	_ =	shalt  }
0x56: {  	_ =	shalt  }
0x57: {  	_ =	shalt  }
0x58: {  	_ =	shalt  }
0x59: {  	_ =	shalt  }
0x5a: {  	_ =	shalt  }
0x5b: {  	_ =	shalt  }
0x5c: {  	_ =	shalt  }
0x5d: {  	_ =	shalt  }
0x5e: {  	_ =	shalt  }
0x5f: {  	_ =	shalt  }
0x60: {  	_ =	shalt  }
0x61: {  	_ =	shalt  }
0x62: {  	_ =	shalt  }
0x63: {  	_ =	shalt  }
0x64: {  	_ =	shalt  }
0x65: {  	_ =	shalt  }
0x66: {  	_ =	shalt  }
0x67: {  	_ =	shalt  }
0x68: {  	_ =	shalt  }
0x69: {  	_ =	shalt  }
0x6a: {  	_ =	shalt  }
0x6b: {  	_ =	shalt  }
0x6c: {  	_ =	shalt  }
0x6d: {  	_ =	shalt  }
0x6e: {  	_ =	shalt  }
0x6f: {  	_ =	shalt  }
0x70: {  	_ =	shalt  }
0x71: {  	_ =	shalt  }
0x72: {  	_ =	shalt  }
0x73: {  	_ =	shalt  }
0x74: {  	_ =	shalt  }
0x75: {  	_ =	shalt  }
0x76: {  	_ =	shalt  }
0x77: {  	_ =	shalt  }
0x78: {  	_ =	shalt  }
0x79: {  	_ =	shalt  }
0x7a: {  	_ =	shalt  }
0x7b: {  	_ =	shalt  }
0x7c: {  	_ =	shalt  }
0x7d: {  	_ =	shalt  }
0x7e: {  	_ =	shalt  }
0x7f: {  	_ =	shalt  }
0x80: {  	_ =	shalt  }
0x81: {  	_ =	shalt  }
0x82: {  	_ =	shalt  }
0x83: {  	_ =	shalt  }
0x84: {  	_ =	shalt  }
0x85: {  	_ =	shalt  }
0x86: {  	_ =	shalt  }
0x87: {  	_ =	shalt  }
.Lfunc_end0:
.L_simem_size_0:
called_computation_lowered:
.L_overlay_start_0:
0x88: {  	s2 =	sld [smem:$0x3FD9]  }
0x89: {  	s3 =	sld [smem:$0x3FFE];
	_ =	sdelay $0x1  }
0x8a: {  	s1 =	srdreg.scid  }
0x8b: {  	s0 =	sand.u32 $0x1, s1  }
0x8c: {  	s17 =	sshll.u32 s0, $0xA;
	s2 =	sadd.s32 s3, s2  }
0x8d: {  	s2 =	sadd.s32 s2, s17  }
0x8e: {  	[smem:$0x3FC5] =	sst s2  }
0x8f: {  	_ = 	snop  }
0x90: {  	s2 =	sld [smem:$0x3FC9]  }
0x91: {  	s18 =	sld [smem:$0x3FC8]  }
0x92: {  	s4 =	sld [smem:$0x3FD0];
	(tm) =	ssettm $0x1  }
0x93: {  	s5 =	sld [smem:$0x3FFB];
	_ =	sdelay $0x3  }
0x94: {  	_ =	strace s5  }
0x95: {  	s5 =	sld [smem:$0x3FFC];
	_ =	sdelay $0x3  }
0x96: {  	_ =	strace s5  }
0x97: {  	s5 =	sld [smem:$0x3FFD];
	_ =	sdelay $0x3  }
0x98: {  	_ =	strace s5  }
0x99: {  	_ =	strace $0x8FFFFFFF  }
0x9a: {  	s19 =	sld [smem:$0x3FDB];
	_ =	sdelay $0x1  }
0x9b: {  	s6 =	simm.s32 $_scs_section_size  }
0x9c: {  	s7 =	simm.s32 $_size__tile_overlayer_lowered;
	s8 =	simm.s32 $_tile_overlayer_lowered  }
0x9d: {  	s22 =	simm.s32 $0x1BFF;
	s21 =	sshll.u32 s8, $0x1;
	s5 =	sadd.s32 s6, s19  }
0x9e: {  	s9 =	simm.s32 $0x0;
	s20 =	sshll.u32 s7, $0x1;
	s7 =	sadd.s32 s21, s5  }
0x9f: {  	[timem:s9], [sflag:s22] =	dma.local [hbm:s7], s20  }
0xa0: {  	_ =	swait.ge [sflag:s22], s20  }
0xa1: {  	s6 =	ssub.s32 $0x0, s20;
	[sflag:s22] =	ssyncset.done $0x0  }
0xa2: {  	[sflag:s22] =	ssyncadd.s32 s6;
	_ =	sdelay $0x1  }
0xa3: {  	s23 =	simm.s32 $0x1B8B  }
0xa4: {  	_ =	swait.ge [sflag:s23], $0x1  }
0xa5: {  	[sflag:s23] =	ssyncset.done $0x0  }
0xa6: {  	s25 =	simm.s32 $0x1B8E;
	s24 =	sld [smem:$0x3FFE];
	[sflag:s23] =	ssyncadd.s32 $0xFFFFFFFF  }
0xa7: {  	s26 =	simm.s32 $execute0_lowered;
	[smem:$0x3FD2] =	sst s25  }
0xa8: {  	s7 =	sshll.u32 s26, $0x1;
	_ =	strace $0x80000046;
	[dreg:$0x1] =	wrdreg $0xFFFFFFFF  }
0xa9: {  	s28 =	simm.s32 $_size_execute0_lowered;
	s5 =	sadd.s32 s5, s7;
	[dreg:$0x0] =	wrdreg $0x0  }
0xaa: {  	s7 =	sshll.u32 s28, $0x1;
	[dreg:$0x2] =	wrdreg s5  }
0xab: {  	[dreg:$0x3] =	wrdreg s7  }
0xac: {  	[dreg:$0x4] =	wrdreg $0xC0  }
0xad: {  	_ =	task [dreg:s9], $0x5FFFF  }
0xae: {  	[dreg:$0x1] =	wrdreg $0xFFFFFFFF  }
0xaf: {  	[dreg:$0x0] =	wrdreg $0x60  }
0xb0: {  	[dreg:$0x2] =	wrdreg s2  }
0xb1: {  	[dreg:$0x3] =	wrdreg s18  }
0xb2: {  	[dreg:$0x4] =	wrdreg s4  }
0xb3: {  	[dreg:$0x5] =	wrdreg s24  }
0xb4: {  	[dreg:$0x6] =	wrdreg $0x9  }
0xb5: {  	_ =	task.clear_ibuf [dreg:s9], $0x7FFFF;
	_ =	strace $0x90000046  }
0xb6: {  	s29 =	simm.s32 $0x9;
	_ =	strace $0x80000048  }
0xb7: {  	_ =	swait.ge [sflag:s29], $0x1  }
0xb8: {  	[sflag:s29] =	ssyncadd.s32 $0xFFFFFFFF  }
0xb9: {  	_ =	strace $0x90000048  }
0xba: {  	_ =	sfence  }
0xbb: {  	s30 =	sld [smem:$0x0];
	_ =	sdelay $0x2  }
0xbc: {  	s31 =	sshll.u32 s1, $0xD;
	s1 =	sshrl.u32 s1, $0x2  }
0xbd: {  	s3 =	sand.u32 $0x4000, s31;
	s1 =	sadd.s32 s1, s30  }
0xbe: {  	s0 =	sor.u32 s3, s0;
	s1 =	sshll.u32 s1, $0x11  }
0xbf: {  	s0 =	sor.u32 s1, s0  }
0xc0: {  	s0 =	sadd.s32 $0x8F2B, s0  }
0xc1: {  	[sflag:s0] =	ssyncadd.remote.s32 $0x1  }
0xc2: {  	_ =	sfence.sel $0xFFFF  }
0xc3: {  	[dreg:$0x0] =	wrdreg $0xFFFFFFFF;
	(pc) =	sbr.abs _section_cstart, $3  }
0xc4: {  	[dreg:$0x1] =	wrdreg $0xFFFFFFFF  }
0xc5: {  	_ =	task.clear_ibuf [dreg:s9], $0x2FFFF;
	_ =	strace $0x9FFFFFFF  }
0xc6: {  	(tm) =	ssettm $0x7FFFFFFF  }
0xc7: {  	_ =	shalt  }
tec
execute0_lowered:
.L_overlay_start_1:
0x0: {  	(tag) =	ssettag $0x1  }
0x1: {  	s0 =	rddreg [dreg:$0x0]  }
0x2: {  	s1 =	rddreg [dreg:$0x1];
	s2 =	srdreg.scid  }
0x3: {  	s3 =	stileid.u32;
	s6 =	rddreg [dreg:$0x3];
	s4 =	simm.s32 $0x0  }
0x4: {  	s13 =	simm.s32 $0x1;
	s2 =	sand.u32 $0x1, s2;
	s3 =	sshll.u32 s3, $0x1  }
0x5: {  	s15 =	simm.s32 $0x40;
	s17 =	simm.s32 $0x2;
	s3 =	sor.u32 s2, s3  }
0x6: {  	s20 =	simm.s32 $0x3;
	s2 =	ssub.s32 $0x2, s2;
	s5 =	smul.u32 $0x6400, s3  }
.Ltmp0:
0x7: {  	s22 =	simm.s32 $0x5;
	s30 =	sshrl.u32 s2, $0x1;
	(pc) =	sbr.rel .LBB2_1-.Ltmp0, $4  }
0x8: {  	s23 =	simm.s32 $0x4;
	s25 =	simm.s32 $0x6;
	s2 =	ssub.s32 s2, s30  }
0x9: {  	[smem:$0x7FF] =	sst s4;
	s7 =	sshrl.u32 s5, $0x3;
	s31 =	smax.u32 s2, $0x1  }
0xa: {  	_ =	strace $0x80000047;
	s0 =	sadd.s32 s0, s7;
	[dreg:$0x6] =	wrdreg s31  }
0xb: {  	s6 =	sadd.s32 $0x400, s6;
	s3 =	simm.s32 $0x0;
	[dreg:$0x5] =	wrdreg s0  }
.LBB2_12:
0xc: {  	s0 =	simm.s32 $0x7  }
0xd: {  	_ =	swait.ge [sflag:s0], $0x2000  }
0xe: {  	[sflag:s0] =	ssyncset.done $0x0  }
0xf: {  	s2 =	simm.s32 $0x8;
	[sflag:s0] =	ssyncadd.s32 $0xFFFFE000  }
0x10: {  	_ =	swait.ge [sflag:s2], $0x2000  }
0x11: {  	s3 =	rddreg [dreg:$0x7]  }
0x12: {  	s31 =	rddreg [dreg:$0x6];
	s3 =	sadd.s32 $0x1, s3  }
0x13: {  	p0 =	sne.s32 s3, s31  }
.Ltmp1:
0x14: {  	_ = 	snop;
	(pc) =	sbr.rel @!p0 .LBB2_13-.Ltmp1, $3  }
0x15: {  	_ =	sdelay $0x1  }
0x16: {  	[sflag:s2] =	ssyncset.done $0x0  }
0x17: {  	[sflag:s2] =	ssyncadd.s32 $0xFFFFE000  }
.LBB2_1:
0x18: {  	[dreg:$0x7] =	wrdreg s3  }
0x19: {  	s0 =	rddreg [dreg:$0x2];
	s2 =	simm.s32 $0x16400;
	s24 =	simm.s32 $0x9  }
0x1a: {  	[tilespmem:s2], [sflag:$0x9] =	stream.linear.gather [hbm4b:s0+s4], $0x6400, $0x38;
	[tilespmem:$0x1C800] =	vst v63  }
0x1b: {  	_ =	swait.ge [sflag:s24], $0x6400  }
0x1c: {  	[sflag:s24] =	ssyncset.done $0x0  }
0x1d: {  	s26 =	rddreg [dreg:$0x5];
	[sflag:s24] =	ssyncadd.s32 $0xFFFF9C00  }
0x1e: {  	[tilespmem:s4], [sflag:$0x9] =	stream.linear.gather [hbm4b:s26+s4], $0x6400, $0x38;
	[tilespmem:$0x1C800] =	vst v63  }
0x1f: {  	s28 =	simm.s32 $0x6400;
	_ =	swait.ge [sflag:s24], $0x6400  }
0x20: {  	s29 =	simm.s32 $0x8400;
	s30 =	simm.s32 $0x80;
	[sflag:s24] =	ssyncset.done $0x0  }
0x21: {  	s31 =	simm.s32 $0xC0;
	s3 =	simm.s32 $0x0;
	[sflag:s24] =	ssyncadd.s32 $0xFFFF9C00  }
0x22: {  	[tilespmem:s28], [sflag:$0x1] =	stream.indirect.gather [hbm4b:s1+s15], $0x80, s4, s15, $0xb8;
	[tilespmem:$0x1C800] =	vst v63  }
0x23: {  	s9 =	simm.s32 $0x0;
	s2 =	simm.s32 $0x40;
	s0 =	simm.s32 $0x0  }
0x24: {  	[tilespmem:s29], [sflag:$0x2] =	stream.indirect.gather [hbm4b:s1+s15], $0x80, s15, s15, $0xb8;
	[tilespmem:$0x1C800] =	vst v63  }
.LBB2_2:
0x25: {  	s7 =	smulhi.u32 $0x51EB851F, s3;
	_ =	sdelay $0x1  }
0x26: {  	s7 =	sshrl.u32 s7, $0x6  }
0x27: {  	s8 =	smul.u32 $0xC8, s7  }
0x28: {  	_ =	swait.ge [sflag:s13], $0x2000;
	s7 =	smul.u32 $0x6400, s7  }
0x29: {  	s14 =	simm.s32 $0x0;
	[sflag:s13] =	ssyncset.done $0x0  }
0x2a: {  	[sflag:s13] =	ssyncadd.s32 $0xFFFFE000;
	s16 =	ssub.s32 s3, s8;
	s19 =	ssub.s32 s0, s7  }
0x2b: {  	p0 =	sgt.u32 s16, $0xC7;
	s7 =	sadd.s32 $0xFFFF9C00, s19;
	s8 =	smov.u32 s19  }
0x2c: {  	v0 =	vld [tilespmem:s14+$0x6400];
	s8 =	smov.u32 @p0 s7  }
0x2d: {  	v1 =	vld [tilespmem:s8+$0x16400];
	_ =	sdelay $0x4  }
0x2e: {  	v0 =	vadd.f32 v1, v0;
	_ =	sdelay $0x1  }
0x2f: {  	[tilespmem:s14+$0xE400] =	vst v0;
	v0 =	vld [tilespmem:s14+$0x6410]  }
0x30: {  	v1 =	vld [tilespmem:s8+$0x16410];
	_ =	sdelay $0x4  }
0x31: {  	v0 =	vadd.f32 v1, v0;
	_ =	sdelay $0x1  }
0x32: {  	[tilespmem:s14+$0xE410] =	vst v0;
	v0 =	vld [tilespmem:s14+$0x6420]  }
0x33: {  	v1 =	vld [tilespmem:s8+$0x16420];
	_ =	sdelay $0x1  }
0x34: {  	s11 =	smulhi.u32 $0x51EB851F, s30  }
0x35: {  	s26 =	smulhi.u32 $0x51EB851F, s2  }
0x36: {  	s21 =	smulhi.u32 $0x51EB851F, s31;
	s24 =	sshrl.u32 s11, $0x6  }
0x37: {  	s11 =	sshrl.u32 s26, $0x6;
	s18 =	smul.u32 $0x6400, s24;
	v0 =	vadd.f32 v1, v0  }
0x38: {  	s29 =	smul.u32 $0xC8, s11  }
0x39: {  	s7 =	sshrl.u32 s21, $0x6;
	s21 =	smul.u32 $0xC8, s24;
	[tilespmem:s14+$0xE420] =	vst v0;
	v0 =	vld [tilespmem:s14+$0x6430]  }
0x3a: {  	s24 =	smul.u32 $0x6400, s11;
	v1 =	vld [tilespmem:s8+$0x16430]  }
0x3b: {  	s26 =	ssub.s32 s0, s18;
	s18 =	sadd.s32 $0x1, s16;
	s10 =	smul.u32 $0x6400, s7  }
0x3c: {  	s11 =	sshll.u32 s9, $0x8;
	p1 =	sgt.u32 s18, $0xC7;
	s12 =	smul.u32 $0xC8, s7  }
0x3d: {  	s28 =	ssub.s32 s30, s21;
	s21 =	simm.s32 $0x80;
	s7 =	ssub.s32 s0, s10  }
0x3e: {  	s10 =	ssub.s32 s0, s24;
	s24 =	sadd.s32 $0x80, s19;
	s19 =	simm.s32 $0x400  }
0x3f: {  	s8 =	ssub.s32 s31, s12;
	s12 =	ssub.s32 s2, s29;
	s29 =	sadd.s32 $0xFFFF9C00, s24;
	v0 =	vadd.f32 v1, v0  }
.LBB2_3:
0x40: {  	s16 =	smov.u32 s24  }
0x41: {  	p0 =	sne.s32 s19, $0x7E00;
	v1 =	vld [tilespmem:s21+$0x6400];
	[tilespmem:s14+$0xE430] =	vst v0;
	s14 =	smov.u32 s21;
	s16 =	smov.u32 @p1 s29  }
0x42: {  	v0 =	vld [tilespmem:s16+$0x16400];
	_ =	sdelay $0x4  }
0x43: {  	v0 =	vadd.f32 v0, v1;
	_ =	sdelay $0x1  }
0x44: {  	[tilespmem:s14+$0xE400] =	vst v0;
	v0 =	vld [tilespmem:s14+$0x6410]  }
0x45: {  	v1 =	vld [tilespmem:s16+$0x16410];
	_ =	sdelay $0x4  }
0x46: {  	v0 =	vadd.f32 v1, v0;
	_ =	sdelay $0x1  }
0x47: {  	[tilespmem:s14+$0xE410] =	vst v0;
	v0 =	vld [tilespmem:s14+$0x6420]  }
0x48: {  	v1 =	vld [tilespmem:s16+$0x16420];
	_ =	sdelay $0x4  }
0x49: {  	v0 =	vadd.f32 v1, v0;
	_ =	sdelay $0x1  }
0x4a: {  	[tilespmem:s14+$0xE420] =	vst v0;
	v0 =	vld [tilespmem:s14+$0x6430]  }
0x4b: {  	v1 =	vld [tilespmem:s16+$0x16430];
	_ =	sdelay $0x1  }
.Ltmp2:
0x4c: {  	(pc) =	sbr.rel @p0 .LBB2_3-.Ltmp2, $3  }
0x4d: {  	_ =	sdelay $0x1  }
0x4e: {  	s21 =	sshra.s32 s19, $0x2;
	s18 =	sadd.s32 $0x1, s18;
	s24 =	sadd.s32 $0x80, s24;
	v0 =	vadd.f32 v1, v0  }
0x4f: {  	s19 =	sadd.s32 $0x200, s19;
	p1 =	sgt.u32 s18, $0xC7;
	s29 =	sadd.s32 $0xFFFF9C00, s24  }
0x50: {  	v1 =	vld [tilespmem:s21+$0x6400];
	s24 =	smov.u32 @p1 s29;
	[tilespmem:s14+$0xE430] =	vst v0  }
0x51: {  	v0 =	vld [tilespmem:s24+$0x16400];
	_ =	sdelay $0x4  }
0x52: {  	v0 =	vadd.f32 v0, v1;
	_ =	sdelay $0x1  }
0x53: {  	[tilespmem:s21+$0xE400] =	vst v0;
	v0 =	vld [tilespmem:s21+$0x6410]  }
0x54: {  	v1 =	vld [tilespmem:s24+$0x16410];
	_ =	sdelay $0x4  }
0x55: {  	v0 =	vadd.f32 v1, v0;
	_ =	sdelay $0x1  }
0x56: {  	[tilespmem:s21+$0xE410] =	vst v0;
	v0 =	vld [tilespmem:s21+$0x6420]  }
0x57: {  	v1 =	vld [tilespmem:s24+$0x16420];
	_ =	sdelay $0x4  }
0x58: {  	v0 =	vadd.f32 v1, v0;
	_ =	sdelay $0x1  }
0x59: {  	[tilespmem:s21+$0xE420] =	vst v0;
	v0 =	vld [tilespmem:s21+$0x6430]  }
0x5a: {  	v1 =	vld [tilespmem:s24+$0x16430];
	_ =	sdelay $0x4  }
0x5b: {  	s19 =	sadd.s32 s5, s11;
	v0 =	vadd.f32 v1, v0  }
0x5c: {  	s14 =	sshll.u32 s19, $0x4  }
0x5d: {  	s16 =	simm.s32 $0xE400;
	p0 =	seq.s32 s9, $0x0;
	s14 =	sadd.s32 s6, s14;
	[tilespmem:s21+$0xE430] =	vst v0  }
0x5e: {  	[hbm4b:s14+s4] =	stream.linear.scatter [tilespmem:s16], [sflag:$0x5], $0x2000, $0x38;
	[tilespmem:$0x1C800] =	vst v63  }
0x5f: {  	s14 =	sshll.u32 s9, $0x2;
	s16 =	simm.s32 @!p0 $0x7  }
0x60: {  	s18 =	sor.u32 $0x2, s14;
	_ =	swait.ge @!p0 [sflag:s16], $0x2000  }
0x61: {  	[sflag:s16] =	ssyncset.done @!p0 $0x0;
	s29 =	sshll.u32 s18, $0x6  }
0x62: {  	s24 =	simm.s32 $0xA400;
	[sflag:s16] =	ssyncadd.s32 @!p0 $0xFFFFE000;
	s21 =	sand.u32 $0x3FFFFFC0, s29  }
0x63: {  	[tilespmem:s24], [sflag:$0x3] =	stream.indirect.gather [hbm4b:s1+s15], $0x80, s21, s15, $0xb8;
	[tilespmem:$0x1C800] =	vst v63  }
0x64: {  	_ =	swait.ge [sflag:s17], $0x2000  }
0x65: {  	p1 =	sgt.u32 s12, $0xC7;
	s18 =	simm.s32 $0xFFFFBC00;
	[sflag:s17] =	ssyncset.done $0x0  }
0x66: {  	s16 =	simm.s32 $0x0;
	s18 =	simm.s32 @!p1 $0x2000;
	[sflag:s17] =	ssyncadd.s32 $0xFFFFE000  }
0x67: {  	s18 =	sadd.s32 s18, s10;
	v0 =	vld [tilespmem:s16+$0x8400]  }
0x68: {  	v1 =	vld [tilespmem:s18+$0x16400];
	_ =	sdelay $0x4  }
0x69: {  	v0 =	vadd.f32 v1, v0;
	_ =	sdelay $0x1  }
0x6a: {  	[tilespmem:s16+$0x10400] =	vst v0;
	v0 =	vld [tilespmem:s16+$0x8410]  }
0x6b: {  	v1 =	vld [tilespmem:s18+$0x16410];
	_ =	sdelay $0x4  }
0x6c: {  	v0 =	vadd.f32 v1, v0;
	_ =	sdelay $0x1  }
0x6d: {  	[tilespmem:s16+$0x10410] =	vst v0;
	v0 =	vld [tilespmem:s16+$0x8420]  }
0x6e: {  	v1 =	vld [tilespmem:s18+$0x16420];
	_ =	sdelay $0x4  }
0x6f: {  	v0 =	vadd.f32 v1, v0;
	_ =	sdelay $0x1  }
0x70: {  	[tilespmem:s16+$0x10420] =	vst v0;
	v0 =	vld [tilespmem:s16+$0x8430]  }
0x71: {  	v1 =	vld [tilespmem:s18+$0x16430];
	_ =	sdelay $0x2  }
0x72: {  	s12 =	sadd.s32 $0x1, s12  }
0x73: {  	p2 =	sgt.u32 s12, $0xC7;
	s19 =	simm.s32 $0x400  }
0x74: {  	s21 =	simm.s32 $0x200;
	s10 =	sadd.s32 $0x80, s10;
	s18 =	sor.u32 $0x40, s11;
	v0 =	vadd.f32 v1, v0  }
.LBB2_5:
0x75: {  	s24 =	simm.s32 $0xFFFFBC00  }
0x76: {  	p1 =	sne.s32 s19, $0x7E00;
	s21 =	sshra.s32 s21, $0x2;
	s24 =	simm.s32 @!p2 $0x2000  }
0x77: {  	v1 =	vld [tilespmem:s21+$0x8400];
	s24 =	sadd.s32 s24, s10;
	[tilespmem:s16+$0x10430] =	vst v0;
	s16 =	smov.u32 s21;
	s21 =	smov.u32 s19  }
0x78: {  	v0 =	vld [tilespmem:s24+$0x16400];
	_ =	sdelay $0x4  }
0x79: {  	v0 =	vadd.f32 v0, v1;
	_ =	sdelay $0x1  }
0x7a: {  	[tilespmem:s16+$0x10400] =	vst v0;
	v0 =	vld [tilespmem:s16+$0x8410]  }
0x7b: {  	v1 =	vld [tilespmem:s24+$0x16410];
	_ =	sdelay $0x4  }
0x7c: {  	v0 =	vadd.f32 v1, v0;
	_ =	sdelay $0x1  }
0x7d: {  	[tilespmem:s16+$0x10410] =	vst v0;
	v0 =	vld [tilespmem:s16+$0x8420]  }
0x7e: {  	v1 =	vld [tilespmem:s24+$0x16420];
	_ =	sdelay $0x4  }
0x7f: {  	v0 =	vadd.f32 v1, v0;
	_ =	sdelay $0x1  }
0x80: {  	[tilespmem:s16+$0x10420] =	vst v0;
	v0 =	vld [tilespmem:s16+$0x8430]  }
0x81: {  	v1 =	vld [tilespmem:s24+$0x16430]  }
.Ltmp3:
0x82: {  	(pc) =	sbr.rel @p1 .LBB2_5-.Ltmp3, $3  }
0x83: {  	_ =	sdelay $0x1  }
0x84: {  	s12 =	sadd.s32 $0x1, s12  }
0x85: {  	p2 =	sgt.u32 s12, $0xC7;
	s19 =	sadd.s32 $0x200, s19;
	s10 =	sadd.s32 $0x80, s10;
	v0 =	vadd.f32 v1, v0  }
0x86: {  	s19 =	simm.s32 $0xFFFFBC00  }
0x87: {  	s12 =	sshra.s32 s21, $0x2;
	s19 =	simm.s32 @!p2 $0x2000  }
0x88: {  	v1 =	vld [tilespmem:s12+$0x8400];
	[tilespmem:s16+$0x10430] =	vst v0;
	s10 =	sadd.s32 s19, s10  }
0x89: {  	v0 =	vld [tilespmem:s10+$0x16400];
	_ =	sdelay $0x4  }
0x8a: {  	v0 =	vadd.f32 v0, v1;
	_ =	sdelay $0x1  }
0x8b: {  	[tilespmem:s12+$0x10400] =	vst v0;
	v0 =	vld [tilespmem:s12+$0x8410]  }
0x8c: {  	v1 =	vld [tilespmem:s10+$0x16410];
	_ =	sdelay $0x4  }
0x8d: {  	v0 =	vadd.f32 v1, v0;
	_ =	sdelay $0x1  }
0x8e: {  	[tilespmem:s12+$0x10410] =	vst v0;
	v0 =	vld [tilespmem:s12+$0x8420]  }
0x8f: {  	v1 =	vld [tilespmem:s10+$0x16420];
	_ =	sdelay $0x4  }
0x90: {  	v0 =	vadd.f32 v1, v0;
	_ =	sdelay $0x1  }
0x91: {  	[tilespmem:s12+$0x10420] =	vst v0;
	v0 =	vld [tilespmem:s12+$0x8430]  }
0x92: {  	v1 =	vld [tilespmem:s10+$0x16430];
	_ =	sdelay $0x4  }
0x93: {  	s16 =	sadd.s32 s5, s18;
	v0 =	vadd.f32 v1, v0  }
0x94: {  	s10 =	sshll.u32 s16, $0x4  }
0x95: {  	s18 =	simm.s32 $0x10400;
	s10 =	sadd.s32 s6, s10;
	[tilespmem:s12+$0x10430] =	vst v0;
	s12 =	simm.s32 @!p0 $0x8  }
0x96: {  	[hbm4b:s10+s4] =	stream.linear.scatter [tilespmem:s18], [sflag:$0x6], $0x2000, $0x38;
	[tilespmem:$0x1C800] =	vst v63  }
0x97: {  	s19 =	sor.u32 $0x3, s14;
	_ =	swait.ge @!p0 [sflag:s12], $0x2000  }
0x98: {  	s10 =	sshll.u32 s19, $0x6;
	[sflag:s12] =	ssyncset.done @!p0 $0x0  }
0x99: {  	s24 =	simm.s32 $0xC400;
	s21 =	sand.u32 $0x3FFFFFC0, s10;
	[sflag:s12] =	ssyncadd.s32 @!p0 $0xFFFFE000  }
0x9a: {  	[tilespmem:s24], [sflag:$0x4] =	stream.indirect.gather [hbm4b:s1+s15], $0x80, s21, s15, $0xb8;
	[tilespmem:$0x1C800] =	vst v63  }
0x9b: {  	_ =	swait.ge [sflag:s20], $0x2000  }
0x9c: {  	s14 =	simm.s32 $0xFFFFDC00;
	p0 =	sgt.u32 s28, $0xC7;
	[sflag:s20] =	ssyncset.done $0x0  }
0x9d: {  	s12 =	simm.s32 $0x0;
	s14 =	simm.s32 @!p0 $0x4000;
	[sflag:s20] =	ssyncadd.s32 $0xFFFFE000  }
0x9e: {  	s14 =	sadd.s32 s14, s26;
	v0 =	vld [tilespmem:s12+$0xA400]  }
0x9f: {  	v1 =	vld [tilespmem:s14+$0x16400];
	_ =	sdelay $0x4  }
0xa0: {  	v0 =	vadd.f32 v1, v0;
	_ =	sdelay $0x1  }
0xa1: {  	[tilespmem:s12+$0x12400] =	vst v0;
	v0 =	vld [tilespmem:s12+$0xA410]  }
0xa2: {  	v1 =	vld [tilespmem:s14+$0x16410];
	_ =	sdelay $0x4  }
0xa3: {  	v0 =	vadd.f32 v1, v0;
	_ =	sdelay $0x1  }
0xa4: {  	[tilespmem:s12+$0x12410] =	vst v0;
	v0 =	vld [tilespmem:s12+$0xA420]  }
0xa5: {  	v1 =	vld [tilespmem:s14+$0x16420];
	_ =	sdelay $0x4  }
0xa6: {  	v0 =	vadd.f32 v1, v0;
	_ =	sdelay $0x1  }
0xa7: {  	[tilespmem:s12+$0x12420] =	vst v0;
	v0 =	vld [tilespmem:s12+$0xA430]  }
0xa8: {  	v1 =	vld [tilespmem:s14+$0x16430];
	_ =	sdelay $0x2  }
0xa9: {  	s16 =	sadd.s32 $0x1, s28  }
0xaa: {  	p1 =	sgt.u32 s16, $0xC7  }
0xab: {  	s19 =	simm.s32 $0x200;
	s18 =	simm.s32 $0x400;
	s14 =	sadd.s32 $0x80, s26;
	v0 =	vadd.f32 v1, v0  }
.LBB2_7:
0xac: {  	s21 =	simm.s32 $0xFFFFDC00  }
0xad: {  	p0 =	sne.s32 s18, $0x7E00;
	s19 =	sshra.s32 s19, $0x2;
	s21 =	simm.s32 @!p1 $0x4000  }
0xae: {  	v1 =	vld [tilespmem:s19+$0xA400];
	s21 =	sadd.s32 s21, s14;
	[tilespmem:s12+$0x12430] =	vst v0;
	s12 =	smov.u32 s19;
	s19 =	smov.u32 s18  }
0xaf: {  	v0 =	vld [tilespmem:s21+$0x16400];
	_ =	sdelay $0x4  }
0xb0: {  	v0 =	vadd.f32 v0, v1;
	_ =	sdelay $0x1  }
0xb1: {  	[tilespmem:s12+$0x12400] =	vst v0;
	v0 =	vld [tilespmem:s12+$0xA410]  }
0xb2: {  	v1 =	vld [tilespmem:s21+$0x16410];
	_ =	sdelay $0x4  }
0xb3: {  	v0 =	vadd.f32 v1, v0;
	_ =	sdelay $0x1  }
0xb4: {  	[tilespmem:s12+$0x12410] =	vst v0;
	v0 =	vld [tilespmem:s12+$0xA420]  }
0xb5: {  	v1 =	vld [tilespmem:s21+$0x16420];
	_ =	sdelay $0x4  }
0xb6: {  	v0 =	vadd.f32 v1, v0;
	_ =	sdelay $0x1  }
0xb7: {  	[tilespmem:s12+$0x12420] =	vst v0;
	v0 =	vld [tilespmem:s12+$0xA430]  }
0xb8: {  	v1 =	vld [tilespmem:s21+$0x16430]  }
.Ltmp4:
0xb9: {  	(pc) =	sbr.rel @p0 .LBB2_7-.Ltmp4, $3  }
0xba: {  	_ =	sdelay $0x1  }
0xbb: {  	s16 =	sadd.s32 $0x1, s16  }
0xbc: {  	p1 =	sgt.u32 s16, $0xC7;
	s18 =	sadd.s32 $0x200, s18;
	s14 =	sadd.s32 $0x80, s14;
	v0 =	vadd.f32 v1, v0  }
0xbd: {  	s18 =	simm.s32 $0xFFFFDC00  }
0xbe: {  	s16 =	sshra.s32 s19, $0x2;
	s18 =	simm.s32 @!p1 $0x4000  }
0xbf: {  	v1 =	vld [tilespmem:s16+$0xA400];
	[tilespmem:s12+$0x12430] =	vst v0;
	s14 =	sadd.s32 s18, s14  }
0xc0: {  	v0 =	vld [tilespmem:s14+$0x16400];
	_ =	sdelay $0x4  }
0xc1: {  	v0 =	vadd.f32 v0, v1;
	_ =	sdelay $0x1  }
0xc2: {  	[tilespmem:s16+$0x12400] =	vst v0;
	v0 =	vld [tilespmem:s16+$0xA410]  }
0xc3: {  	v1 =	vld [tilespmem:s14+$0x16410];
	_ =	sdelay $0x4  }
0xc4: {  	v0 =	vadd.f32 v1, v0;
	_ =	sdelay $0x1  }
0xc5: {  	[tilespmem:s16+$0x12410] =	vst v0;
	v0 =	vld [tilespmem:s16+$0xA420]  }
0xc6: {  	v1 =	vld [tilespmem:s14+$0x16420];
	_ =	sdelay $0x4  }
0xc7: {  	v0 =	vadd.f32 v1, v0;
	_ =	sdelay $0x1  }
0xc8: {  	[tilespmem:s16+$0x12420] =	vst v0;
	v0 =	vld [tilespmem:s16+$0xA430]  }
0xc9: {  	v1 =	vld [tilespmem:s14+$0x16430];
	_ =	sdelay $0x4  }
0xca: {  	s28 =	sadd.s32 s5, s29;
	v0 =	vadd.f32 v1, v0  }
0xcb: {  	s12 =	sshll.u32 s28, $0x4  }
0xcc: {  	s29 =	simm.s32 $0x12400;
	p0 =	seq.s32 s9, $0x63;
	s12 =	sadd.s32 s6, s12;
	[tilespmem:s16+$0x12430] =	vst v0  }
0xcd: {  	[hbm4b:s12+s4] =	stream.linear.scatter [tilespmem:s29], [sflag:$0x7], $0x2000, $0x38;
	[tilespmem:$0x1C800] =	vst v63  }
0xce: {  	s12 =	sshll.u32 @!p0 s9, $0x8;
	_ =	swait.ge [sflag:s22], $0x2000  }
0xcf: {  	s14 =	simm.s32 @!p0 $0x40;
	s12 =	sand.u32 @!p0 $0x3FFFFF00, s12;
	[sflag:s22] =	ssyncset.done $0x0  }
0xd0: {  	s16 =	simm.s32 @!p0 $0x6400;
	s12 =	sadd.s32 @!p0 $0x100, s12;
	[sflag:s22] =	ssyncadd.s32 $0xFFFFE000  }
0xd1: {  	[tilespmem:s16], [sflag:$0x1] =	stream.indirect.gather @!p0 [hbm4b:s1+s14], $0x80, s12, s14, $0xb8;
	[tilespmem:$0x1C800] =	vst v63  }
0xd2: {  	_ =	swait.ge [sflag:s23], $0x2000  }
0xd3: {  	p1 =	sgt.u32 s8, $0xC7;
	s14 =	simm.s32 $0xFFFFFC00;
	[sflag:s23] =	ssyncset.done $0x0  }
0xd4: {  	s12 =	simm.s32 $0x0;
	s14 =	simm.s32 @!p1 $0x6000;
	[sflag:s23] =	ssyncadd.s32 $0xFFFFE000  }
0xd5: {  	s14 =	sadd.s32 s14, s7;
	v0 =	vld [tilespmem:s12+$0xC400]  }
0xd6: {  	v1 =	vld [tilespmem:s14+$0x16400];
	_ =	sdelay $0x4  }
0xd7: {  	v0 =	vadd.f32 v1, v0;
	_ =	sdelay $0x1  }
0xd8: {  	[tilespmem:s12+$0x14400] =	vst v0;
	v0 =	vld [tilespmem:s12+$0xC410]  }
0xd9: {  	v1 =	vld [tilespmem:s14+$0x16410];
	_ =	sdelay $0x4  }
0xda: {  	v0 =	vadd.f32 v1, v0;
	_ =	sdelay $0x1  }
0xdb: {  	[tilespmem:s12+$0x14410] =	vst v0;
	v0 =	vld [tilespmem:s12+$0xC420]  }
0xdc: {  	v1 =	vld [tilespmem:s14+$0x16420];
	_ =	sdelay $0x4  }
0xdd: {  	v0 =	vadd.f32 v1, v0;
	_ =	sdelay $0x1  }
0xde: {  	[tilespmem:s12+$0x14420] =	vst v0;
	v0 =	vld [tilespmem:s12+$0xC430]  }
0xdf: {  	v1 =	vld [tilespmem:s14+$0x16430];
	_ =	sdelay $0x2  }
0xe0: {  	s8 =	sadd.s32 $0x1, s8  }
0xe1: {  	p2 =	sgt.u32 s8, $0xC7  }
0xe2: {  	s16 =	simm.s32 $0x200;
	s7 =	sadd.s32 $0x80, s7;
	s14 =	simm.s32 $0x400;
	v0 =	vadd.f32 v1, v0  }
.LBB2_9:
0xe3: {  	s18 =	simm.s32 $0xFFFFFC00  }
0xe4: {  	p1 =	sne.s32 s14, $0x7E00;
	s16 =	sshra.s32 s16, $0x2;
	s18 =	simm.s32 @!p2 $0x6000  }
0xe5: {  	v1 =	vld [tilespmem:s16+$0xC400];
	s18 =	sadd.s32 s18, s7;
	[tilespmem:s12+$0x14430] =	vst v0;
	s12 =	smov.u32 s16;
	s16 =	smov.u32 s14  }
0xe6: {  	v0 =	vld [tilespmem:s18+$0x16400];
	_ =	sdelay $0x4  }
0xe7: {  	v0 =	vadd.f32 v0, v1;
	_ =	sdelay $0x1  }
0xe8: {  	[tilespmem:s12+$0x14400] =	vst v0;
	v0 =	vld [tilespmem:s12+$0xC410]  }
0xe9: {  	v1 =	vld [tilespmem:s18+$0x16410];
	_ =	sdelay $0x4  }
0xea: {  	v0 =	vadd.f32 v1, v0;
	_ =	sdelay $0x1  }
0xeb: {  	[tilespmem:s12+$0x14410] =	vst v0;
	v0 =	vld [tilespmem:s12+$0xC420]  }
0xec: {  	v1 =	vld [tilespmem:s18+$0x16420];
	_ =	sdelay $0x4  }
0xed: {  	v0 =	vadd.f32 v1, v0;
	_ =	sdelay $0x1  }
0xee: {  	[tilespmem:s12+$0x14420] =	vst v0;
	v0 =	vld [tilespmem:s12+$0xC430]  }
0xef: {  	v1 =	vld [tilespmem:s18+$0x16430]  }
.Ltmp5:
0xf0: {  	(pc) =	sbr.rel @p1 .LBB2_9-.Ltmp5, $3  }
0xf1: {  	_ =	sdelay $0x1  }
0xf2: {  	s8 =	sadd.s32 $0x1, s8  }
0xf3: {  	p2 =	sgt.u32 s8, $0xC7;
	s14 =	sadd.s32 $0x200, s14;
	s7 =	sadd.s32 $0x80, s7;
	v0 =	vadd.f32 v1, v0  }
0xf4: {  	s14 =	simm.s32 $0xFFFFFC00  }
0xf5: {  	s8 =	sshra.s32 s16, $0x2;
	s14 =	simm.s32 @!p2 $0x6000  }
0xf6: {  	v1 =	vld [tilespmem:s8+$0xC400];
	[tilespmem:s12+$0x14430] =	vst v0;
	s7 =	sadd.s32 s14, s7  }
0xf7: {  	v0 =	vld [tilespmem:s7+$0x16400];
	_ =	sdelay $0x4  }
0xf8: {  	v0 =	vadd.f32 v0, v1;
	_ =	sdelay $0x1  }
0xf9: {  	v58 =	vld [tilespmem:s8+$0xC410];
	[tilespmem:s8+$0x14400] =	vst v0  }
0xfa: {  	v59 =	vld [tilespmem:s7+$0x16410];
	_ =	sdelay $0x4  }
0xfb: {  	v0 =	vadd.f32 v59, v58;
	_ =	sdelay $0x1  }
0xfc: {  	v60 =	vld [tilespmem:s8+$0xC420];
	[tilespmem:s8+$0x14410] =	vst v0  }
0xfd: {  	v61 =	vld [tilespmem:s7+$0x16420];
	_ =	sdelay $0x4  }
0xfe: {  	v0 =	vadd.f32 v61, v60;
	_ =	sdelay $0x1  }
0xff: {  	v62 =	vld [tilespmem:s8+$0xC430];
	[tilespmem:s8+$0x14420] =	vst v0  }
0x100: {  	v63 =	vld [tilespmem:s7+$0x16430];
	_ =	sdelay $0x4  }
0x101: {  	s28 =	sadd.s32 s5, s10;
	v0 =	vadd.f32 v63, v62  }
0x102: {  	s7 =	sshll.u32 s28, $0x4  }
.Ltmp6:
0x103: {  	s29 =	simm.s32 $0x14400;
	s7 =	sadd.s32 s6, s7;
	[tilespmem:s8+$0x14430] =	vst v0;
	(pc) =	sbr.rel @p0 .LBB2_12-.Ltmp6, $4  }
0x104: {  	[hbm4b:s7+s4] =	stream.linear.scatter [tilespmem:s29], [sflag:$0x8], $0x2000, $0x38;
	[tilespmem:$0x1C800] =	vst v63  }
0x105: {  	_ =	swait.ge [sflag:s25], $0x2000  }
0x106: {  	[sflag:s25] =	ssyncset.done $0x0  }
0x107: {  	[sflag:s25] =	ssyncadd.s32 $0xFFFFE000  }
.Ltmp7:
0x108: {  	(pc) =	sbr.rel .LBB2_2-.Ltmp7, $4  }
0x109: {  	s7 =	sand.u32 $0x3FFFFF00, s11;
	s8 =	simm.s32 $0x8400;
	s9 =	sadd.s32 $0x1, s9  }
0x10a: {  	s3 =	sadd.s32 $0x100, s3;
	s0 =	sadd.s32 $0x8000, s0;
	s2 =	sadd.s32 $0x100, s2  }
0x10b: {  	s30 =	sadd.s32 $0x100, s30;
	s31 =	sadd.s32 $0x100, s31;
	s7 =	sadd.s32 $0x140, s7  }
0x10c: {  	[tilespmem:s8], [sflag:$0x2] =	stream.indirect.gather [hbm4b:s1+s15], $0x80, s7, s15, $0xb8;
	[tilespmem:$0x1C800] =	vst v63  }
.LBB2_13:
0x10d: {  	_ =	sfence.sel $0x180000  }
0x10e: {  	[bflag:$0x0] =	sbarrier.arrive $0xFFFF  }
0x10f: {  	_ =	strace $0x90000047  }
0x110: {  	s0 =	stileid.u32;
	[bflag:$0x2] =	sbarrier.arrive $0xFFFF  }
0x111: {  	p0 =	sne.s32 s0, $0x0;
	s0 =	rddreg [dreg:$0x4]  }
0x112: {  	s0 =	sadd.s32 @!p0 $0x100000, s0  }
0x113: {  	[sflag:s0] =	ssyncadd.tile.s32 @!p0 $0x1;
	_ =	shalt  }
.Lfunc_end2:
_tile_overlayer_lowered:
.L_overlay_start_2:
0x114: {  	(tag) =	ssettag $0x2  }
0x115: {  	s0 =	rddreg [dreg:$0x0];
	s2 =	stileid.u32  }
0x116: {  	s1 =	rddreg [dreg:$0x1];
	p0 =	sne.s32 s2, $0x0  }
0x117: {  	s3 =	rddreg [dreg:$0x2];
	[bflag:$0x3] =	sbarrier.arrive $0xFFFF;
	s2 =	simm.s32 @!p0 $0x1C09  }
0x118: {  	[timem:s3], [sflag:s2] =	dma.local @!p0 [hbm:s0], s1  }
0x119: {  	s0 =	simm.s32 @!p0 $0x9  }
0x11a: {  	_ =	swait.ge @!p0 [sflag:s0], s1  }
0x11b: {  	s1 =	ssub.s32 @!p0 $0x0, s1;
	[sflag:s0] =	ssyncset.done @!p0 $0x0  }
0x11c: {  	[sflag:s0] =	ssyncadd.s32 @!p0 s1  }
0x11d: {  	[bflag:$0x3] =	sbarrier.arrive $0xFFFF  }
0x11e: {  	_ =	shalt  }

</sc_bundles>
